<compile_context>
chip_gen: v7x
topology: tpu7x:2x2x1
jax: 0.10.2.dev20260603
libtpu: 0.0.44.dev20260713+nightly
codegen_flags: <defaults>
</compile_context>

<pallas_src>
import functools

import jax
import jax.numpy as jnp
from jax import lax
from jax.experimental import pallas as pl
from jax.experimental.pallas import tpu as pltpu
from jax.experimental.pallas import tpu_sc as plsc

_CHUNK = 120
_CG = 64
_NCORES = 2
_NSUB = 16
_NW = _NCORES * _NSUB
_LANES = 16
_BLK = 1000


def _stage1_body(mu_ref, x_ref, wT_ref, b_ref, h_ref, x3_ref):
    acc = jnp.dot(x_ref[...], wT_ref[...],
                  preferred_element_type=jnp.float32,
                  precision=lax.Precision.HIGHEST)
    h = jnp.maximum(acc + b_ref[...], 0.0)
    h_ref[...] = h
    mu = mu_ref[...]
    safe = jnp.where(h > 0.0, h, 1.0)
    x3_ref[...] = jnp.where(h > 0.0, jnp.exp(mu * jnp.log(safe)), 0.0)


def _stage2t_body(h_ref, f1T_ref, b1_ref, y1_ref):
    y1_ref[...] = jnp.dot(h_ref[...], f1T_ref[...],
                          preferred_element_type=jnp.float32,
                          precision=lax.Precision.HIGHEST) + b1_ref[...]


def _stage3_body(imu_ref, y1_ref, p_ref, f2T_ref, b2_ref, o_ref):
    p = p_ref[...]
    s = p[0] + p[1]
    imu = imu_ref[...]
    safe = jnp.where(s > 0.0, s, 1.0)
    x2 = jnp.where(s > 0.0, jnp.exp(imu * jnp.log(safe)), 0.0)
    o_ref[...] = (y1_ref[...]
                  + jnp.dot(x2, f2T_ref[...],
                            preferred_element_type=jnp.float32,
                            precision=lax.Precision.HIGHEST)
                  + b2_ref[...])


_DEPTH = 3


def _make_sc_scatter(n_pad, d, e):
    n_chunks = e // _CHUNK
    steps = (n_chunks // _DEPTH + _NW - 1) // _NW
    steps += steps % 2
    rows_per_sub = n_pad // _NSUB
    mesh = plsc.VectorSubcoreMesh(core_axis_name="c", subcore_axis_name="s")

    idx_scratch = [pltpu.VMEM((_CHUNK,), jnp.int32) for _ in range(4 * _DEPTH)]
    row_scratch = [pltpu.VMEM((_CHUNK, d), jnp.float32) for _ in range(_DEPTH)]
    sem_scratch = [pltpu.SemaphoreType.DMA for _ in range(2 * _DEPTH + 2)]

    @functools.partial(
        pl.kernel,
        mesh=mesh,
        out_type=jax.ShapeDtypeStruct((_NCORES * n_pad, d), jnp.float32),
        scratch_types=idx_scratch + row_scratch
        + [pltpu.VMEM_SHARED((n_pad, d), jnp.float32)]
        + sem_scratch,
    )
    def scatter_kernel(src_hbm, dst_hbm, x3_hbm, out_hbm, *scratch):
        src_vs = (scratch[0:_DEPTH], scratch[_DEPTH:2 * _DEPTH])
        dst_vs = (scratch[2 * _DEPTH:3 * _DEPTH],
                  scratch[3 * _DEPTH:4 * _DEPTH])
        rows_vs = scratch[4 * _DEPTH:5 * _DEPTH]
        acc_sh = scratch[5 * _DEPTH]
        gsems = scratch[5 * _DEPTH + 1:6 * _DEPTH + 1]
        ssems = scratch[6 * _DEPTH + 1:7 * _DEPTH + 1]
        isems = scratch[7 * _DEPTH + 1:]
        c = lax.axis_index("c")
        s = lax.axis_index("s")
        w = s * _NCORES + c

        zrow = jnp.zeros((_LANES,), jnp.float32)

        @pl.loop(0, _CHUNK)
        def _(i):
            @pl.loop(0, d, step=_LANES)
            def _(j):
                rows_vs[0][i, pl.ds(j, _LANES)] = zrow

        zh = []
        for t in range(rows_per_sub // _CG):
            zh.append(pltpu.async_copy(
                rows_vs[0].at[pl.ds(0, _CG)],
                acc_sh.at[pl.ds(s * rows_per_sub + t * _CG, _CG)],
                gsems[t % _DEPTH]))
        for h in zh:
            h.wait()

        plsc.subcore_barrier()

        n_units = n_chunks // _DEPTH

        def fire_idx(u, pset):
            j0 = _DEPTH * u
            for q in range(_DEPTH):
                base = pl.multiple_of((j0 + q) * _CHUNK, _CHUNK)
                pltpu.async_copy(src_hbm.at[pl.ds(base, _CHUNK)],
                                 src_vs[pset][q], isems[pset])
                pltpu.async_copy(dst_hbm.at[pl.ds(base, _CHUNK)],
                                 dst_vs[pset][q], isems[pset])

        def wait_idx(u, pset):
            j0 = _DEPTH * u
            for q in range(_DEPTH):
                base = pl.multiple_of((j0 + q) * _CHUNK, _CHUNK)
                pltpu.make_async_copy(src_hbm.at[pl.ds(base, _CHUNK)],
                                      src_vs[pset][q], isems[pset]).wait()
                pltpu.make_async_copy(dst_hbm.at[pl.ds(base, _CHUNK)],
                                      dst_vs[pset][q], isems[pset]).wait()

        fire_idx(w, 0)

        @pl.loop(0, steps, step=2)
        def _(k0):
            for pset in (0, 1):
                k = k0 + pset
                u = k * _NW + w

                @pl.when(u < n_units)
                def _(k=k, u=u, pset=pset):
                    wait_idx(u, pset)

                    if pset == 0:
                        @pl.when(k > 0)
                        def _():
                            for q in range(_DEPTH):
                                pltpu.make_async_copy(
                                    rows_vs[q], acc_sh.at[dst_vs[1][q]],
                                    ssems[q]).wait()
                    else:
                        for q in range(_DEPTH):
                            pltpu.make_async_copy(
                                rows_vs[q], acc_sh.at[dst_vs[0][q]],
                                ssems[q]).wait()

                    gh = []
                    for q in range(_DEPTH):
                        gh.append(pltpu.async_copy(
                            x3_hbm.at[src_vs[pset][q]], rows_vs[q],
                            gsems[q]))

                    @pl.when(u + _NW < n_units)
                    def _():
                        fire_idx(u + _NW, 1 - pset)

                    for q in range(_DEPTH):
                        gh[q].wait()
                        pltpu.async_copy(rows_vs[q],
                                         acc_sh.at[dst_vs[pset][q]],
                                         ssems[q], add=True)

        for q in range(_DEPTH):
            pltpu.make_async_copy(rows_vs[q], acc_sh.at[dst_vs[0][q]],
                                  ssems[q]).wait()

        plsc.subcore_barrier()

        row0 = s * rows_per_sub
        pltpu.sync_copy(acc_sh.at[pl.ds(row0, rows_per_sub)],
                        out_hbm.at[pl.ds(c * n_pad + row0, rows_per_sub)])

    return scatter_kernel


def kernel(x, edge_index, pool_W, pool_b, fc1_W, fc1_b, fc2_W, fc2_b, mu):
    n, d_in = x.shape
    d_pool = pool_W.shape[0]
    d_out = fc1_W.shape[0]
    e = edge_index.shape[1]
    pad_unit = _NSUB * _CG
    n_pad = ((n + pad_unit - 1) // pad_unit) * pad_unit
    grid = n // _BLK

    mu_f = jnp.asarray(mu, jnp.float32).reshape(1, 1)
    mu_row = jnp.broadcast_to(mu_f, (1, d_pool))
    imu_row = jnp.broadcast_to(1.0 / mu_f, (1, d_pool))

    h, x3 = pl.pallas_call(
        _stage1_body,
        grid=(grid,),
        in_specs=[
            pl.BlockSpec((1, d_pool), lambda i: (0, 0)),
            pl.BlockSpec((_BLK, d_in), lambda i: (i, 0)),
            pl.BlockSpec((d_in, d_pool), lambda i: (0, 0)),
            pl.BlockSpec((1, d_pool), lambda i: (0, 0)),
        ],
        out_specs=[
            pl.BlockSpec((_BLK, d_pool), lambda i: (i, 0)),
            pl.BlockSpec((_BLK, d_pool), lambda i: (i, 0)),
        ],
        out_shape=[
            jax.ShapeDtypeStruct((n, d_pool), jnp.float32),
            jax.ShapeDtypeStruct((n, d_pool), jnp.float32),
        ],
    )(mu_row, x, pool_W.T, pool_b.reshape(1, -1))

    dst = edge_index[0]
    src = edge_index[1]
    unit = _DEPTH * _CHUNK
    e_pad = ((e + unit - 1) // unit) * unit
    pad = e_pad - e
    if pad:
        src = jnp.concatenate([src, jnp.zeros((pad,), jnp.int32)])
        junk = n + (jnp.arange(pad, dtype=jnp.int32) % (n_pad - n))
        dst = jnp.concatenate([dst, junk])
    agg_flat = _make_sc_scatter(n_pad, d_pool, e_pad)(src, dst, x3)
    agg3 = agg_flat.reshape(_NCORES, n_pad, d_pool)

    y1 = pl.pallas_call(
        _stage2t_body,
        grid=(grid,),
        in_specs=[
            pl.BlockSpec((_BLK, d_pool), lambda i: (i, 0)),
            pl.BlockSpec((d_pool, d_out), lambda i: (0, 0)),
            pl.BlockSpec((1, d_out), lambda i: (0, 0)),
        ],
        out_specs=pl.BlockSpec((_BLK, d_out), lambda i: (i, 0)),
        out_shape=jax.ShapeDtypeStruct((n, d_out), jnp.float32),
    )(h, fc1_W.T, fc1_b.reshape(1, -1))

    out = pl.pallas_call(
        _stage3_body,
        grid=(grid,),
        in_specs=[
            pl.BlockSpec((1, d_pool), lambda i: (0, 0)),
            pl.BlockSpec((_BLK, d_out), lambda i: (i, 0)),
            pl.BlockSpec((_NCORES, _BLK, d_pool), lambda i: (0, i, 0)),
            pl.BlockSpec((d_pool, d_out), lambda i: (0, 0)),
            pl.BlockSpec((1, d_out), lambda i: (0, 0)),
        ],
        out_specs=pl.BlockSpec((_BLK, d_out), lambda i: (i, 0)),
        out_shape=jax.ShapeDtypeStruct((n, d_out), jnp.float32),
    )(imu_row, y1, agg3, fc2_W.T, fc2_b.reshape(1, -1))

    return out

# --- scband reference (transcript-rebuilt; emitter-appended) ---
"""Pipeline reference for scband-norm-sage-14250701488884 (READ-ONLY COPY).

The authoritative reference and input builder live on the scoring server;
editing this copy changes nothing except your own understanding.
"""

import jax, jax.numpy as jnp
import numpy as np

N = 10000
E = 320000
D_IN = 128
D_POOL = 128
D_OUT = 128


def setup_inputs(seed: int = 0) -> dict:
    key = jax.random.key(seed)
    ks = jax.random.split(key, 8)
    x = jax.random.normal(ks[0], (N, D_IN), dtype=jnp.float32)
    # adjacency as edge list: row 0 = dst (adj row), row 1 = src (adj col); spmm(adj, h) == scatter-add h[src] into dst
    edge_index = jax.random.randint(ks[1], (2, E), 0, N, dtype=jnp.int32)
    b1 = 1.0 / np.sqrt(D_IN)
    b2 = 1.0 / np.sqrt(D_POOL)
    pool_W = jax.random.uniform(ks[2], (D_POOL, D_IN), jnp.float32, -b1, b1)
    pool_b = jax.random.uniform(ks[3], (D_POOL,), jnp.float32, -b1, b1)
    fc1_W = jax.random.uniform(ks[4], (D_OUT, D_POOL), jnp.float32, -b2, b2)
    fc1_b = jax.random.uniform(ks[5], (D_OUT,), jnp.float32, -b2, b2)
    fc2_W = jax.random.uniform(ks[6], (D_OUT, D_POOL), jnp.float32, -b2, b2)
    fc2_b = jax.random.uniform(ks[7], (D_OUT,), jnp.float32, -b2, b2)
    mu = jnp.array(2.0, dtype=jnp.float32)
    return {"x": x, "edge_index": edge_index, "pool_W": pool_W, "pool_b": pool_b, "fc1_W": fc1_W, "fc1_b": fc1_b, "fc2_W": fc2_W, "fc2_b": fc2_b, "mu": mu}


def reference(x, edge_index, pool_W, pool_b, fc1_W, fc1_b, fc2_W, fc2_b, mu=2.0):
    # x = relu(pool_fc(x))
    h = jax.nn.relu(x @ pool_W.T + pool_b)
    # x3 = x ** mu
    x3 = h ** mu
    # x2 = spmm(adj, x3) ** (1/mu)  -> scatter-add along edges
    dst = edge_index[0]
    src = edge_index[1]
    agg = jnp.zeros_like(x3).at[dst].add(x3[src])
    x2 = agg ** (1.0 / mu)
    # x4 = fc1(x) + fc2(x2)
    x4 = (h @ fc1_W.T + fc1_b) + (x2 @ fc2_W.T + fc2_b)
    # activation=None, dropout=False -> identity
    return x4

if __name__ == "__main__":
    import jax
    _d = setup_inputs()
    print(jax.jit(kernel)(*tuple(_d.values())))

</pallas_src>

<mosaic_0001>
#map = affine_map<(d0, d1) -> (0)>
#map1 = affine_map<(d0, d1) -> (0, 0)>
module attributes {stable_mosaic.version = 14 : i64} {
  func.func @scatter_kernel(%arg0: i32, %arg1: i32, %arg2: memref<320040xi32, #tpu.memory_space<hbm>>, %arg3: memref<320040xi32, #tpu.memory_space<hbm>>, %arg4: memref<10000x128xf32, #tpu.memory_space<hbm>>, %arg5: memref<20480x128xf32, #tpu.memory_space<hbm>>, %arg6: memref<120xi32, #tpu.memory_space<vmem>>, %arg7: memref<120xi32, #tpu.memory_space<vmem>>, %arg8: memref<120xi32, #tpu.memory_space<vmem>>, %arg9: memref<120xi32, #tpu.memory_space<vmem>>, %arg10: memref<120xi32, #tpu.memory_space<vmem>>, %arg11: memref<120xi32, #tpu.memory_space<vmem>>, %arg12: memref<120xi32, #tpu.memory_space<vmem>>, %arg13: memref<120xi32, #tpu.memory_space<vmem>>, %arg14: memref<120xi32, #tpu.memory_space<vmem>>, %arg15: memref<120xi32, #tpu.memory_space<vmem>>, %arg16: memref<120xi32, #tpu.memory_space<vmem>>, %arg17: memref<120xi32, #tpu.memory_space<vmem>>, %arg18: memref<120x128xf32, #tpu.memory_space<vmem>>, %arg19: memref<120x128xf32, #tpu.memory_space<vmem>>, %arg20: memref<120x128xf32, #tpu.memory_space<vmem>>, %arg21: memref<10240x128xf32, #tpu.memory_space<vmem_shared>>, %arg22: memref<!tpu.dma_semaphore, #tpu.memory_space<semaphore_mem>>, %arg23: memref<!tpu.dma_semaphore, #tpu.memory_space<semaphore_mem>>, %arg24: memref<!tpu.dma_semaphore, #tpu.memory_space<semaphore_mem>>, %arg25: memref<!tpu.dma_semaphore, #tpu.memory_space<semaphore_mem>>, %arg26: memref<!tpu.dma_semaphore, #tpu.memory_space<semaphore_mem>>, %arg27: memref<!tpu.dma_semaphore, #tpu.memory_space<semaphore_mem>>, %arg28: memref<!tpu.dma_semaphore, #tpu.memory_space<semaphore_mem>>, %arg29: memref<!tpu.dma_semaphore, #tpu.memory_space<semaphore_mem>>) attributes {dimension_semantics = [#tpu.dimension_semantics<core_parallel>, #tpu.dimension_semantics<subcore_parallel>], iteration_bounds = array<i64: 2, 16>, scalar_prefetch = 0 : i64, scratch_operands = 24 : i64, tpu.core_type = #tpu.core_type<sc_vector_subcore>, window_params = [{transform_indices = #map}, {transform_indices = #map}, {transform_indices = #map1}, {transform_indices = #map1}]} {
    %mul3A = arith.constant 2 : i32
    %mul3A_0 = arith.muli %arg1, %mul3A : i32
    %add3A = arith.addi %mul3A_0, %arg0 : i32
    %broadcast_in_dim3A = arith.constant 0.000000e+00 : f32
    %broadcast_in_dim3A_1 = vector.broadcast %broadcast_in_dim3A : f32 to vector<16xf32>
    %scan3A = arith.constant 0 : i32
    %scan3A_2 = arith.constant 120 : i32
    %scan3A_3 = arith.addi %scan3A, %scan3A_2 : i32
    %scan3A_4 = arith.constant 1 : i32
    scf.for %scan3A_292 = %scan3A to %scan3A_3 step %scan3A_4  : i32 {
      %mul3A_293 = arith.constant 1 : i32
      %mul3A_294 = arith.muli %scan3A_292, %mul3A_293 : i32
      %add3A_295 = arith.constant 0 : i32
      %add3A_296 = arith.addi %add3A_295, %mul3A_294 : i32
      %scan3A_297 = arith.constant 0 : i32
      %scan3A_298 = arith.constant 8 : i32
      %scan3A_299 = arith.addi %scan3A_297, %scan3A_298 : i32
      %scan3A_300 = arith.constant 1 : i32
      scf.for %scan3A_302 = %scan3A_297 to %scan3A_299 step %scan3A_300  : i32 {
        %mul3A_303 = arith.constant 16 : i32
        %mul3A_304 = arith.muli %scan3A_302, %mul3A_303 : i32
        %add3A_305 = arith.constant 0 : i32
        %add3A_306 = arith.addi %add3A_305, %mul3A_304 : i32
        %swap3A = arith.index_cast %add3A_296 : i32 to index
        %swap3A_307 = arith.index_cast %add3A_306 : i32 to index
        %swap3A_308 = tpu.vector_load %arg18[%swap3A, %swap3A_307] {strides = array<i32>} : memref<120x128xf32, #tpu.memory_space<vmem>>, vector<1x16xf32>,
        %swap3A_309 = vector.shape_cast %swap3A_308 : vector<1x16xf32> to vector<16xf32>
        %swap3A_310 = vector.shape_cast %broadcast_in_dim3A_1 : vector<16xf32> to vector<1x16xf32>
        tpu.vector_store %arg18[%swap3A, %swap3A_307], %swap3A_310 {strides = array<i32>} : memref<120x128xf32, #tpu.memory_space<vmem>>, vector<1x16xf32>,
      }
      %scan3A_301 = arith.constant 8 : i32
    }
    %scan3A_5 = arith.constant 120 : i32
    %mul3A_6 = arith.constant 640 : i32
    %mul3A_7 = arith.muli %arg1, %mul3A_6 : i32
    %add3A_8 = arith.constant 0 : i32
    %add3A_9 = arith.addi %mul3A_7, %add3A_8 : i32
    %dma_start3A = arith.constant 0 : i32
    %dma_start3A_10 = arith.constant 0 : i32
    %dma_start3A_11 = tpu.memref_slice %arg18[%dma_start3A, %dma_start3A_10] : memref<120x128xf32, #tpu.memory_space<vmem>> -> memref<64x128xf32, #tpu.memory_space<vmem>>
    %dma_start3A_12 = arith.constant 0 : i32
    %dma_start3A_13 = tpu.memref_slice %arg21[%add3A_9, %dma_start3A_12] : memref<10240x128xf32, #tpu.memory_space<vmem_shared>> -> memref<64x128xf32, #tpu.memory_space<vmem_shared>>
    %dma_start3A_14 = arith.constant 0 : i32
    %dma_start3A_15 = tpu.memref_slice %arg21[%add3A_9, %dma_start3A_14] : memref<10240x128xf32, #tpu.memory_space<vmem_shared>> -> memref<64x128xf32, #tpu.memory_space<vmem_shared>>
    %dma_start3A_16 = arith.constant 0 : i32
    %dma_start3A_17 = arith.constant 0 : i32
    %dma_start3A_18 = tpu.memref_slice %arg18[%dma_start3A_16, %dma_start3A_17] : memref<120x128xf32, #tpu.memory_space<vmem>> -> memref<64x128xf32, #tpu.memory_space<vmem>>
    tpu.enqueue_dma source(%dma_start3A_18 : memref<64x128xf32, #tpu.memory_space<vmem>>) target(%dma_start3A_15 : memref<64x128xf32, #tpu.memory_space<vmem_shared>>) target_semaphore(%arg22 : memref<!tpu.dma_semaphore, #tpu.memory_space<semaphore_mem>>)
    %mul3A_19 = arith.constant 640 : i32
    %mul3A_20 = arith.muli %arg1, %mul3A_19 : i32
    %add3A_21 = arith.constant 64 : i32
    %add3A_22 = arith.addi %mul3A_20, %add3A_21 : i32
    %dma_start3A_23 = arith.constant 0 : i32
    %dma_start3A_24 = arith.constant 0 : i32
    %dma_start3A_25 = tpu.memref_slice %arg18[%dma_start3A_23, %dma_start3A_24] : memref<120x128xf32, #tpu.memory_space<vmem>> -> memref<64x128xf32, #tpu.memory_space<vmem>>
    %dma_start3A_26 = arith.constant 0 : i32
    %dma_start3A_27 = tpu.memref_slice %arg21[%add3A_22, %dma_start3A_26] : memref<10240x128xf32, #tpu.memory_space<vmem_shared>> -> memref<64x128xf32, #tpu.memory_space<vmem_shared>>
    %dma_start3A_28 = arith.constant 0 : i32
    %dma_start3A_29 = tpu.memref_slice %arg21[%add3A_22, %dma_start3A_28] : memref<10240x128xf32, #tpu.memory_space<vmem_shared>> -> memref<64x128xf32, #tpu.memory_space<vmem_shared>>
    %dma_start3A_30 = arith.constant 0 : i32
    %dma_start3A_31 = arith.constant 0 : i32
    %dma_start3A_32 = tpu.memref_slice %arg18[%dma_start3A_30, %dma_start3A_31] : memref<120x128xf32, #tpu.memory_space<vmem>> -> memref<64x128xf32, #tpu.memory_space<vmem>>
    tpu.enqueue_dma source(%dma_start3A_32 : memref<64x128xf32, #tpu.memory_space<vmem>>) target(%dma_start3A_29 : memref<64x128xf32, #tpu.memory_space<vmem_shared>>) target_semaphore(%arg23 : memref<!tpu.dma_semaphore, #tpu.memory_space<semaphore_mem>>)
    %mul3A_33 = arith.constant 640 : i32
    %mul3A_34 = arith.muli %arg1, %mul3A_33 : i32
    %add3A_35 = arith.constant 128 : i32
    %add3A_36 = arith.addi %mul3A_34, %add3A_35 : i32
    %dma_start3A_37 = arith.constant 0 : i32
    %dma_start3A_38 = arith.constant 0 : i32
    %dma_start3A_39 = tpu.memref_slice %arg18[%dma_start3A_37, %dma_start3A_38] : memref<120x128xf32, #tpu.memory_space<vmem>> -> memref<64x128xf32, #tpu.memory_space<vmem>>
    %dma_start3A_40 = arith.constant 0 : i32
    %dma_start3A_41 = tpu.memref_slice %arg21[%add3A_36, %dma_start3A_40] : memref<10240x128xf32, #tpu.memory_space<vmem_shared>> -> memref<64x128xf32, #tpu.memory_space<vmem_shared>>
    %dma_start3A_42 = arith.constant 0 : i32
    %dma_start3A_43 = tpu.memref_slice %arg21[%add3A_36, %dma_start3A_42] : memref<10240x128xf32, #tpu.memory_space<vmem_shared>> -> memref<64x128xf32, #tpu.memory_space<vmem_shared>>
    %dma_start3A_44 = arith.constant 0 : i32
    %dma_start3A_45 = arith.constant 0 : i32
    %dma_start3A_46 = tpu.memref_slice %arg18[%dma_start3A_44, %dma_start3A_45] : memref<120x128xf32, #tpu.memory_space<vmem>> -> memref<64x128xf32, #tpu.memory_space<vmem>>
    tpu.enqueue_dma source(%dma_start3A_46 : memref<64x128xf32, #tpu.memory_space<vmem>>) target(%dma_start3A_43 : memref<64x128xf32, #tpu.memory_space<vmem_shared>>) target_semaphore(%arg24 : memref<!tpu.dma_semaphore, #tpu.memory_space<semaphore_mem>>)
    %mul3A_47 = arith.constant 640 : i32
    %mul3A_48 = arith.muli %arg1, %mul3A_47 : i32
    %add3A_49 = arith.constant 192 : i32
    %add3A_50 = arith.addi %mul3A_48, %add3A_49 : i32
    %dma_start3A_51 = arith.constant 0 : i32
    %dma_start3A_52 = arith.constant 0 : i32
    %dma_start3A_53 = tpu.memref_slice %arg18[%dma_start3A_51, %dma_start3A_52] : memref<120x128xf32, #tpu.memory_space<vmem>> -> memref<64x128xf32, #tpu.memory_space<vmem>>
    %dma_start3A_54 = arith.constant 0 : i32
    %dma_start3A_55 = tpu.memref_slice %arg21[%add3A_50, %dma_start3A_54] : memref<10240x128xf32, #tpu.memory_space<vmem_shared>> -> memref<64x128xf32, #tpu.memory_space<vmem_shared>>
    %dma_start3A_56 = arith.constant 0 : i32
    %dma_start3A_57 = tpu.memref_slice %arg21[%add3A_50, %dma_start3A_56] : memref<10240x128xf32, #tpu.memory_space<vmem_shared>> -> memref<64x128xf32, #tpu.memory_space<vmem_shared>>
    %dma_start3A_58 = arith.constant 0 : i32
    %dma_start3A_59 = arith.constant 0 : i32
    %dma_start3A_60 = tpu.memref_slice %arg18[%dma_start3A_58, %dma_start3A_59] : memref<120x128xf32, #tpu.memory_space<vmem>> -> memref<64x128xf32, #tpu.memory_space<vmem>>
    tpu.enqueue_dma source(%dma_start3A_60 : memref<64x128xf32, #tpu.memory_space<vmem>>) target(%dma_start3A_57 : memref<64x128xf32, #tpu.memory_space<vmem_shared>>) target_semaphore(%arg22 : memref<!tpu.dma_semaphore, #tpu.memory_space<semaphore_mem>>)
    %mul3A_61 = arith.constant 640 : i32
    %mul3A_62 = arith.muli %arg1, %mul3A_61 : i32
    %add3A_63 = arith.constant 256 : i32
    %add3A_64 = arith.addi %mul3A_62, %add3A_63 : i32
    %dma_start3A_65 = arith.constant 0 : i32
    %dma_start3A_66 = arith.constant 0 : i32
    %dma_start3A_67 = tpu.memref_slice %arg18[%dma_start3A_65, %dma_start3A_66] : memref<120x128xf32, #tpu.memory_space<vmem>> -> memref<64x128xf32, #tpu.memory_space<vmem>>
    %dma_start3A_68 = arith.constant 0 : i32
    %dma_start3A_69 = tpu.memref_slice %arg21[%add3A_64, %dma_start3A_68] : memref<10240x128xf32, #tpu.memory_space<vmem_shared>> -> memref<64x128xf32, #tpu.memory_space<vmem_shared>>
    %dma_start3A_70 = arith.constant 0 : i32
    %dma_start3A_71 = tpu.memref_slice %arg21[%add3A_64, %dma_start3A_70] : memref<10240x128xf32, #tpu.memory_space<vmem_shared>> -> memref<64x128xf32, #tpu.memory_space<vmem_shared>>
    %dma_start3A_72 = arith.constant 0 : i32
    %dma_start3A_73 = arith.constant 0 : i32
    %dma_start3A_74 = tpu.memref_slice %arg18[%dma_start3A_72, %dma_start3A_73] : memref<120x128xf32, #tpu.memory_space<vmem>> -> memref<64x128xf32, #tpu.memory_space<vmem>>
    tpu.enqueue_dma source(%dma_start3A_74 : memref<64x128xf32, #tpu.memory_space<vmem>>) target(%dma_start3A_71 : memref<64x128xf32, #tpu.memory_space<vmem_shared>>) target_semaphore(%arg23 : memref<!tpu.dma_semaphore, #tpu.memory_space<semaphore_mem>>)
    %mul3A_75 = arith.constant 640 : i32
    %mul3A_76 = arith.muli %arg1, %mul3A_75 : i32
    %add3A_77 = arith.constant 320 : i32
    %add3A_78 = arith.addi %mul3A_76, %add3A_77 : i32
    %dma_start3A_79 = arith.constant 0 : i32
    %dma_start3A_80 = arith.constant 0 : i32
    %dma_start3A_81 = tpu.memref_slice %arg18[%dma_start3A_79, %dma_start3A_80] : memref<120x128xf32, #tpu.memory_space<vmem>> -> memref<64x128xf32, #tpu.memory_space<vmem>>
    %dma_start3A_82 = arith.constant 0 : i32
    %dma_start3A_83 = tpu.memref_slice %arg21[%add3A_78, %dma_start3A_82] : memref<10240x128xf32, #tpu.memory_space<vmem_shared>> -> memref<64x128xf32, #tpu.memory_space<vmem_shared>>
    %dma_start3A_84 = arith.constant 0 : i32
    %dma_start3A_85 = tpu.memref_slice %arg21[%add3A_78, %dma_start3A_84] : memref<10240x128xf32, #tpu.memory_space<vmem_shared>> -> memref<64x128xf32, #tpu.memory_space<vmem_shared>>
    %dma_start3A_86 = arith.constant 0 : i32
    %dma_start3A_87 = arith.constant 0 : i32
    %dma_start3A_88 = tpu.memref_slice %arg18[%dma_start3A_86, %dma_start3A_87] : memref<120x128xf32, #tpu.memory_space<vmem>> -> memref<64x128xf32, #tpu.memory_space<vmem>>
    tpu.enqueue_dma source(%dma_start3A_88 : memref<64x128xf32, #tpu.memory_space<vmem>>) target(%dma_start3A_85 : memref<64x128xf32, #tpu.memory_space<vmem_shared>>) target_semaphore(%arg24 : memref<!tpu.dma_semaphore, #tpu.memory_space<semaphore_mem>>)
    %mul3A_89 = arith.constant 640 : i32
    %mul3A_90 = arith.muli %arg1, %mul3A_89 : i32
    %add3A_91 = arith.constant 384 : i32
    %add3A_92 = arith.addi %mul3A_90, %add3A_91 : i32
    %dma_start3A_93 = arith.constant 0 : i32
    %dma_start3A_94 = arith.constant 0 : i32
    %dma_start3A_95 = tpu.memref_slice %arg18[%dma_start3A_93, %dma_start3A_94] : memref<120x128xf32, #tpu.memory_space<vmem>> -> memref<64x128xf32, #tpu.memory_space<vmem>>
    %dma_start3A_96 = arith.constant 0 : i32
    %dma_start3A_97 = tpu.memref_slice %arg21[%add3A_92, %dma_start3A_96] : memref<10240x128xf32, #tpu.memory_space<vmem_shared>> -> memref<64x128xf32, #tpu.memory_space<vmem_shared>>
    %dma_start3A_98 = arith.constant 0 : i32
    %dma_start3A_99 = tpu.memref_slice %arg21[%add3A_92, %dma_start3A_98] : memref<10240x128xf32, #tpu.memory_space<vmem_shared>> -> memref<64x128xf32, #tpu.memory_space<vmem_shared>>
    %dma_start3A_100 = arith.constant 0 : i32
    %dma_start3A_101 = arith.constant 0 : i32
    %dma_start3A_102 = tpu.memref_slice %arg18[%dma_start3A_100, %dma_start3A_101] : memref<120x128xf32, #tpu.memory_space<vmem>> -> memref<64x128xf32, #tpu.memory_space<vmem>>
    tpu.enqueue_dma source(%dma_start3A_102 : memref<64x128xf32, #tpu.memory_space<vmem>>) target(%dma_start3A_99 : memref<64x128xf32, #tpu.memory_space<vmem_shared>>) target_semaphore(%arg22 : memref<!tpu.dma_semaphore, #tpu.memory_space<semaphore_mem>>)
    %mul3A_103 = arith.constant 640 : i32
    %mul3A_104 = arith.muli %arg1, %mul3A_103 : i32
    %add3A_105 = arith.constant 448 : i32
    %add3A_106 = arith.addi %mul3A_104, %add3A_105 : i32
    %dma_start3A_107 = arith.constant 0 : i32
    %dma_start3A_108 = arith.constant 0 : i32
    %dma_start3A_109 = tpu.memref_slice %arg18[%dma_start3A_107, %dma_start3A_108] : memref<120x128xf32, #tpu.memory_space<vmem>> -> memref<64x128xf32, #tpu.memory_space<vmem>>
    %dma_start3A_110 = arith.constant 0 : i32
    %dma_start3A_111 = tpu.memref_slice %arg21[%add3A_106, %dma_start3A_110] : memref<10240x128xf32, #tpu.memory_space<vmem_shared>> -> memref<64x128xf32, #tpu.memory_space<vmem_shared>>
    %dma_start3A_112 = arith.constant 0 : i32
    %dma_start3A_113 = tpu.memref_slice %arg21[%add3A_106, %dma_start3A_112] : memref<10240x128xf32, #tpu.memory_space<vmem_shared>> -> memref<64x128xf32, #tpu.memory_space<vmem_shared>>
    %dma_start3A_114 = arith.constant 0 : i32
    %dma_start3A_115 = arith.constant 0 : i32
    %dma_start3A_116 = tpu.memref_slice %arg18[%dma_start3A_114, %dma_start3A_115] : memref<120x128xf32, #tpu.memory_space<vmem>> -> memref<64x128xf32, #tpu.memory_space<vmem>>
    tpu.enqueue_dma source(%dma_start3A_116 : memref<64x128xf32, #tpu.memory_space<vmem>>) target(%dma_start3A_113 : memref<64x128xf32, #tpu.memory_space<vmem_shared>>) target_semaphore(%arg23 : memref<!tpu.dma_semaphore, #tpu.memory_space<semaphore_mem>>)
    %mul3A_117 = arith.constant 640 : i32
    %mul3A_118 = arith.muli %arg1, %mul3A_117 : i32
    %add3A_119 = arith.constant 512 : i32
    %add3A_120 = arith.addi %mul3A_118, %add3A_119 : i32
    %dma_start3A_121 = arith.constant 0 : i32
    %dma_start3A_122 = arith.constant 0 : i32
    %dma_start3A_123 = tpu.memref_slice %arg18[%dma_start3A_121, %dma_start3A_122] : memref<120x128xf32, #tpu.memory_space<vmem>> -> memref<64x128xf32, #tpu.memory_space<vmem>>
    %dma_start3A_124 = arith.constant 0 : i32
    %dma_start3A_125 = tpu.memref_slice %arg21[%add3A_120, %dma_start3A_124] : memref<10240x128xf32, #tpu.memory_space<vmem_shared>> -> memref<64x128xf32, #tpu.memory_space<vmem_shared>>
    %dma_start3A_126 = arith.constant 0 : i32
    %dma_start3A_127 = tpu.memref_slice %arg21[%add3A_120, %dma_start3A_126] : memref<10240x128xf32, #tpu.memory_space<vmem_shared>> -> memref<64x128xf32, #tpu.memory_space<vmem_shared>>
    %dma_start3A_128 = arith.constant 0 : i32
    %dma_start3A_129 = arith.constant 0 : i32
    %dma_start3A_130 = tpu.memref_slice %arg18[%dma_start3A_128, %dma_start3A_129] : memref<120x128xf32, #tpu.memory_space<vmem>> -> memref<64x128xf32, #tpu.memory_space<vmem>>
    tpu.enqueue_dma source(%dma_start3A_130 : memref<64x128xf32, #tpu.memory_space<vmem>>) target(%dma_start3A_127 : memref<64x128xf32, #tpu.memory_space<vmem_shared>>) target_semaphore(%arg24 : memref<!tpu.dma_semaphore, #tpu.memory_space<semaphore_mem>>)
    %mul3A_131 = arith.constant 640 : i32
    %mul3A_132 = arith.muli %arg1, %mul3A_131 : i32
    %add3A_133 = arith.constant 576 : i32
    %add3A_134 = arith.addi %mul3A_132, %add3A_133 : i32
    %dma_start3A_135 = arith.constant 0 : i32
    %dma_start3A_136 = arith.constant 0 : i32
    %dma_start3A_137 = tpu.memref_slice %arg18[%dma_start3A_135, %dma_start3A_136] : memref<120x128xf32, #tpu.memory_space<vmem>> -> memref<64x128xf32, #tpu.memory_space<vmem>>
    %dma_start3A_138 = arith.constant 0 : i32
    %dma_start3A_139 = tpu.memref_slice %arg21[%add3A_134, %dma_start3A_138] : memref<10240x128xf32, #tpu.memory_space<vmem_shared>> -> memref<64x128xf32, #tpu.memory_space<vmem_shared>>
    %dma_start3A_140 = arith.constant 0 : i32
    %dma_start3A_141 = tpu.memref_slice %arg21[%add3A_134, %dma_start3A_140] : memref<10240x128xf32, #tpu.memory_space<vmem_shared>> -> memref<64x128xf32, #tpu.memory_space<vmem_shared>>
    %dma_start3A_142 = arith.constant 0 : i32
    %dma_start3A_143 = arith.constant 0 : i32
    %dma_start3A_144 = tpu.memref_slice %arg18[%dma_start3A_142, %dma_start3A_143] : memref<120x128xf32, #tpu.memory_space<vmem>> -> memref<64x128xf32, #tpu.memory_space<vmem>>
    tpu.enqueue_dma source(%dma_start3A_144 : memref<64x128xf32, #tpu.memory_space<vmem>>) target(%dma_start3A_141 : memref<64x128xf32, #tpu.memory_space<vmem_shared>>) target_semaphore(%arg22 : memref<!tpu.dma_semaphore, #tpu.memory_space<semaphore_mem>>)
    %dma_wait3A = arith.constant 0 : i32
    %dma_wait3A_145 = arith.constant 0 : i32
    %dma_wait3A_146 = tpu.memref_slice %arg18[%dma_wait3A, %dma_wait3A_145] : memref<120x128xf32, #tpu.memory_space<vmem>> -> memref<64x128xf32, #tpu.memory_space<vmem>>
    %dma_wait3A_147 = arith.constant 0 : i32
    %dma_wait3A_148 = tpu.memref_slice %arg21[%add3A_9, %dma_wait3A_147] : memref<10240x128xf32, #tpu.memory_space<vmem_shared>> -> memref<64x128xf32, #tpu.memory_space<vmem_shared>>
    %dma_wait3A_149 = arith.constant 0 : i32
    %dma_wait3A_150 = tpu.memref_slice %arg21[%add3A_9, %dma_wait3A_149] : memref<10240x128xf32, #tpu.memory_space<vmem_shared>> -> memref<64x128xf32, #tpu.memory_space<vmem_shared>>
    %dma_wait3A_151 = arith.constant 0 : i32
    %dma_wait3A_152 = arith.constant 0 : i32
    %dma_wait3A_153 = tpu.memref_slice %arg18[%dma_wait3A_151, %dma_wait3A_152] : memref<120x128xf32, #tpu.memory_space<vmem>> -> memref<64x128xf32, #tpu.memory_space<vmem>>
    tpu.wait_dma2 semaphore(%arg22 : memref<!tpu.dma_semaphore, #tpu.memory_space<semaphore_mem>>) src(%dma_wait3A_153 : memref<64x128xf32, #tpu.memory_space<vmem>>) dst(%dma_wait3A_150 : memref<64x128xf32, #tpu.memory_space<vmem_shared>>)
    %dma_wait3A_154 = arith.constant 0 : i32
    %dma_wait3A_155 = arith.constant 0 : i32
    %dma_wait3A_156 = tpu.memref_slice %arg18[%dma_wait3A_154, %dma_wait3A_155] : memref<120x128xf32, #tpu.memory_space<vmem>> -> memref<64x128xf32, #tpu.memory_space<vmem>>
    %dma_wait3A_157 = arith.constant 0 : i32
    %dma_wait3A_158 = tpu.memref_slice %arg21[%add3A_22, %dma_wait3A_157] : memref<10240x128xf32, #tpu.memory_space<vmem_shared>> -> memref<64x128xf32, #tpu.memory_space<vmem_shared>>
    %dma_wait3A_159 = arith.constant 0 : i32
    %dma_wait3A_160 = tpu.memref_slice %arg21[%add3A_22, %dma_wait3A_159] : memref<10240x128xf32, #tpu.memory_space<vmem_shared>> -> memref<64x128xf32, #tpu.memory_space<vmem_shared>>
    %dma_wait3A_161 = arith.constant 0 : i32
    %dma_wait3A_162 = arith.constant 0 : i32
    %dma_wait3A_163 = tpu.memref_slice %arg18[%dma_wait3A_161, %dma_wait3A_162] : memref<120x128xf32, #tpu.memory_space<vmem>> -> memref<64x128xf32, #tpu.memory_space<vmem>>
    tpu.wait_dma2 semaphore(%arg23 : memref<!tpu.dma_semaphore, #tpu.memory_space<semaphore_mem>>) src(%dma_wait3A_163 : memref<64x128xf32, #tpu.memory_space<vmem>>) dst(%dma_wait3A_160 : memref<64x128xf32, #tpu.memory_space<vmem_shared>>)
    %dma_wait3A_164 = arith.constant 0 : i32
    %dma_wait3A_165 = arith.constant 0 : i32
    %dma_wait3A_166 = tpu.memref_slice %arg18[%dma_wait3A_164, %dma_wait3A_165] : memref<120x128xf32, #tpu.memory_space<vmem>> -> memref<64x128xf32, #tpu.memory_space<vmem>>
    %dma_wait3A_167 = arith.constant 0 : i32
    %dma_wait3A_168 = tpu.memref_slice %arg21[%add3A_36, %dma_wait3A_167] : memref<10240x128xf32, #tpu.memory_space<vmem_shared>> -> memref<64x128xf32, #tpu.memory_space<vmem_shared>>
    %dma_wait3A_169 = arith.constant 0 : i32
    %dma_wait3A_170 = tpu.memref_slice %arg21[%add3A_36, %dma_wait3A_169] : memref<10240x128xf32, #tpu.memory_space<vmem_shared>> -> memref<64x128xf32, #tpu.memory_space<vmem_shared>>
    %dma_wait3A_171 = arith.constant 0 : i32
    %dma_wait3A_172 = arith.constant 0 : i32
    %dma_wait3A_173 = tpu.memref_slice %arg18[%dma_wait3A_171, %dma_wait3A_172] : memref<120x128xf32, #tpu.memory_space<vmem>> -> memref<64x128xf32, #tpu.memory_space<vmem>>
    tpu.wait_dma2 semaphore(%arg24 : memref<!tpu.dma_semaphore, #tpu.memory_space<semaphore_mem>>) src(%dma_wait3A_173 : memref<64x128xf32, #tpu.memory_space<vmem>>) dst(%dma_wait3A_170 : memref<64x128xf32, #tpu.memory_space<vmem_shared>>)
    %dma_wait3A_174 = arith.constant 0 : i32
    %dma_wait3A_175 = arith.constant 0 : i32
    %dma_wait3A_176 = tpu.memref_slice %arg18[%dma_wait3A_174, %dma_wait3A_175] : memref<120x128xf32, #tpu.memory_space<vmem>> -> memref<64x128xf32, #tpu.memory_space<vmem>>
    %dma_wait3A_177 = arith.constant 0 : i32
    %dma_wait3A_178 = tpu.memref_slice %arg21[%add3A_50, %dma_wait3A_177] : memref<10240x128xf32, #tpu.memory_space<vmem_shared>> -> memref<64x128xf32, #tpu.memory_space<vmem_shared>>
    %dma_wait3A_179 = arith.constant 0 : i32
    %dma_wait3A_180 = tpu.memref_slice %arg21[%add3A_50, %dma_wait3A_179] : memref<10240x128xf32, #tpu.memory_space<vmem_shared>> -> memref<64x128xf32, #tpu.memory_space<vmem_shared>>
    %dma_wait3A_181 = arith.constant 0 : i32
    %dma_wait3A_182 = arith.constant 0 : i32
    %dma_wait3A_183 = tpu.memref_slice %arg18[%dma_wait3A_181, %dma_wait3A_182] : memref<120x128xf32, #tpu.memory_space<vmem>> -> memref<64x128xf32, #tpu.memory_space<vmem>>
    tpu.wait_dma2 semaphore(%arg22 : memref<!tpu.dma_semaphore, #tpu.memory_space<semaphore_mem>>) src(%dma_wait3A_183 : memref<64x128xf32, #tpu.memory_space<vmem>>) dst(%dma_wait3A_180 : memref<64x128xf32, #tpu.memory_space<vmem_shared>>)
    %dma_wait3A_184 = arith.constant 0 : i32
    %dma_wait3A_185 = arith.constant 0 : i32
    %dma_wait3A_186 = tpu.memref_slice %arg18[%dma_wait3A_184, %dma_wait3A_185] : memref<120x128xf32, #tpu.memory_space<vmem>> -> memref<64x128xf32, #tpu.memory_space<vmem>>
    %dma_wait3A_187 = arith.constant 0 : i32
    %dma_wait3A_188 = tpu.memref_slice %arg21[%add3A_64, %dma_wait3A_187] : memref<10240x128xf32, #tpu.memory_space<vmem_shared>> -> memref<64x128xf32, #tpu.memory_space<vmem_shared>>
    %dma_wait3A_189 = arith.constant 0 : i32
    %dma_wait3A_190 = tpu.memref_slice %arg21[%add3A_64, %dma_wait3A_189] : memref<10240x128xf32, #tpu.memory_space<vmem_shared>> -> memref<64x128xf32, #tpu.memory_space<vmem_shared>>
    %dma_wait3A_191 = arith.constant 0 : i32
    %dma_wait3A_192 = arith.constant 0 : i32
    %dma_wait3A_193 = tpu.memref_slice %arg18[%dma_wait3A_191, %dma_wait3A_192] : memref<120x128xf32, #tpu.memory_space<vmem>> -> memref<64x128xf32, #tpu.memory_space<vmem>>
    tpu.wait_dma2 semaphore(%arg23 : memref<!tpu.dma_semaphore, #tpu.memory_space<semaphore_mem>>) src(%dma_wait3A_193 : memref<64x128xf32, #tpu.memory_space<vmem>>) dst(%dma_wait3A_190 : memref<64x128xf32, #tpu.memory_space<vmem_shared>>)
    %dma_wait3A_194 = arith.constant 0 : i32
    %dma_wait3A_195 = arith.constant 0 : i32
    %dma_wait3A_196 = tpu.memref_slice %arg18[%dma_wait3A_194, %dma_wait3A_195] : memref<120x128xf32, #tpu.memory_space<vmem>> -> memref<64x128xf32, #tpu.memory_space<vmem>>
    %dma_wait3A_197 = arith.constant 0 : i32
    %dma_wait3A_198 = tpu.memref_slice %arg21[%add3A_78, %dma_wait3A_197] : memref<10240x128xf32, #tpu.memory_space<vmem_shared>> -> memref<64x128xf32, #tpu.memory_space<vmem_shared>>
    %dma_wait3A_199 = arith.constant 0 : i32
    %dma_wait3A_200 = tpu.memref_slice %arg21[%add3A_78, %dma_wait3A_199] : memref<10240x128xf32, #tpu.memory_space<vmem_shared>> -> memref<64x128xf32, #tpu.memory_space<vmem_shared>>
    %dma_wait3A_201 = arith.constant 0 : i32
    %dma_wait3A_202 = arith.constant 0 : i32
    %dma_wait3A_203 = tpu.memref_slice %arg18[%dma_wait3A_201, %dma_wait3A_202] : memref<120x128xf32, #tpu.memory_space<vmem>> -> memref<64x128xf32, #tpu.memory_space<vmem>>
    tpu.wait_dma2 semaphore(%arg24 : memref<!tpu.dma_semaphore, #tpu.memory_space<semaphore_mem>>) src(%dma_wait3A_203 : memref<64x128xf32, #tpu.memory_space<vmem>>) dst(%dma_wait3A_200 : memref<64x128xf32, #tpu.memory_space<vmem_shared>>)
    %dma_wait3A_204 = arith.constant 0 : i32
    %dma_wait3A_205 = arith.constant 0 : i32
    %dma_wait3A_206 = tpu.memref_slice %arg18[%dma_wait3A_204, %dma_wait3A_205] : memref<120x128xf32, #tpu.memory_space<vmem>> -> memref<64x128xf32, #tpu.memory_space<vmem>>
    %dma_wait3A_207 = arith.constant 0 : i32
    %dma_wait3A_208 = tpu.memref_slice %arg21[%add3A_92, %dma_wait3A_207] : memref<10240x128xf32, #tpu.memory_space<vmem_shared>> -> memref<64x128xf32, #tpu.memory_space<vmem_shared>>
    %dma_wait3A_209 = arith.constant 0 : i32
    %dma_wait3A_210 = tpu.memref_slice %arg21[%add3A_92, %dma_wait3A_209] : memref<10240x128xf32, #tpu.memory_space<vmem_shared>> -> memref<64x128xf32, #tpu.memory_space<vmem_shared>>
    %dma_wait3A_211 = arith.constant 0 : i32
    %dma_wait3A_212 = arith.constant 0 : i32
    %dma_wait3A_213 = tpu.memref_slice %arg18[%dma_wait3A_211, %dma_wait3A_212] : memref<120x128xf32, #tpu.memory_space<vmem>> -> memref<64x128xf32, #tpu.memory_space<vmem>>
    tpu.wait_dma2 semaphore(%arg22 : memref<!tpu.dma_semaphore, #tpu.memory_space<semaphore_mem>>) src(%dma_wait3A_213 : memref<64x128xf32, #tpu.memory_space<vmem>>) dst(%dma_wait3A_210 : memref<64x128xf32, #tpu.memory_space<vmem_shared>>)
    %dma_wait3A_214 = arith.constant 0 : i32
    %dma_wait3A_215 = arith.constant 0 : i32
    %dma_wait3A_216 = tpu.memref_slice %arg18[%dma_wait3A_214, %dma_wait3A_215] : memref<120x128xf32, #tpu.memory_space<vmem>> -> memref<64x128xf32, #tpu.memory_space<vmem>>
    %dma_wait3A_217 = arith.constant 0 : i32
    %dma_wait3A_218 = tpu.memref_slice %arg21[%add3A_106, %dma_wait3A_217] : memref<10240x128xf32, #tpu.memory_space<vmem_shared>> -> memref<64x128xf32, #tpu.memory_space<vmem_shared>>
    %dma_wait3A_219 = arith.constant 0 : i32
    %dma_wait3A_220 = tpu.memref_slice %arg21[%add3A_106, %dma_wait3A_219] : memref<10240x128xf32, #tpu.memory_space<vmem_shared>> -> memref<64x128xf32, #tpu.memory_space<vmem_shared>>
    %dma_wait3A_221 = arith.constant 0 : i32
    %dma_wait3A_222 = arith.constant 0 : i32
    %dma_wait3A_223 = tpu.memref_slice %arg18[%dma_wait3A_221, %dma_wait3A_222] : memref<120x128xf32, #tpu.memory_space<vmem>> -> memref<64x128xf32, #tpu.memory_space<vmem>>
    tpu.wait_dma2 semaphore(%arg23 : memref<!tpu.dma_semaphore, #tpu.memory_space<semaphore_mem>>) src(%dma_wait3A_223 : memref<64x128xf32, #tpu.memory_space<vmem>>) dst(%dma_wait3A_220 : memref<64x128xf32, #tpu.memory_space<vmem_shared>>)
    %dma_wait3A_224 = arith.constant 0 : i32
    %dma_wait3A_225 = arith.constant 0 : i32
    %dma_wait3A_226 = tpu.memref_slice %arg18[%dma_wait3A_224, %dma_wait3A_225] : memref<120x128xf32, #tpu.memory_space<vmem>> -> memref<64x128xf32, #tpu.memory_space<vmem>>
    %dma_wait3A_227 = arith.constant 0 : i32
    %dma_wait3A_228 = tpu.memref_slice %arg21[%add3A_120, %dma_wait3A_227] : memref<10240x128xf32, #tpu.memory_space<vmem_shared>> -> memref<64x128xf32, #tpu.memory_space<vmem_shared>>
    %dma_wait3A_229 = arith.constant 0 : i32
    %dma_wait3A_230 = tpu.memref_slice %arg21[%add3A_120, %dma_wait3A_229] : memref<10240x128xf32, #tpu.memory_space<vmem_shared>> -> memref<64x128xf32, #tpu.memory_space<vmem_shared>>
    %dma_wait3A_231 = arith.constant 0 : i32
    %dma_wait3A_232 = arith.constant 0 : i32
    %dma_wait3A_233 = tpu.memref_slice %arg18[%dma_wait3A_231, %dma_wait3A_232] : memref<120x128xf32, #tpu.memory_space<vmem>> -> memref<64x128xf32, #tpu.memory_space<vmem>>
    tpu.wait_dma2 semaphore(%arg24 : memref<!tpu.dma_semaphore, #tpu.memory_space<semaphore_mem>>) src(%dma_wait3A_233 : memref<64x128xf32, #tpu.memory_space<vmem>>) dst(%dma_wait3A_230 : memref<64x128xf32, #tpu.memory_space<vmem_shared>>)
    %dma_wait3A_234 = arith.constant 0 : i32
    %dma_wait3A_235 = arith.constant 0 : i32
    %dma_wait3A_236 = tpu.memref_slice %arg18[%dma_wait3A_234, %dma_wait3A_235] : memref<120x128xf32, #tpu.memory_space<vmem>> -> memref<64x128xf32, #tpu.memory_space<vmem>>
    %dma_wait3A_237 = arith.constant 0 : i32
    %dma_wait3A_238 = tpu.memref_slice %arg21[%add3A_134, %dma_wait3A_237] : memref<10240x128xf32, #tpu.memory_space<vmem_shared>> -> memref<64x128xf32, #tpu.memory_space<vmem_shared>>
    %dma_wait3A_239 = arith.constant 0 : i32
    %dma_wait3A_240 = tpu.memref_slice %arg21[%add3A_134, %dma_wait3A_239] : memref<10240x128xf32, #tpu.memory_space<vmem_shared>> -> memref<64x128xf32, #tpu.memory_space<vmem_shared>>
    %dma_wait3A_241 = arith.constant 0 : i32
    %dma_wait3A_242 = arith.constant 0 : i32
    %dma_wait3A_243 = tpu.memref_slice %arg18[%dma_wait3A_241, %dma_wait3A_242] : memref<120x128xf32, #tpu.memory_space<vmem>> -> memref<64x128xf32, #tpu.memory_space<vmem>>
    tpu.wait_dma2 semaphore(%arg22 : memref<!tpu.dma_semaphore, #tpu.memory_space<semaphore_mem>>) src(%dma_wait3A_243 : memref<64x128xf32, #tpu.memory_space<vmem>>) dst(%dma_wait3A_240 : memref<64x128xf32, #tpu.memory_space<vmem_shared>>)
    %barrier3A = arith.constant 0 : index
    tpu.barrier barrier_id(%barrier3A)
    %mul3A_244 = arith.constant 3 : i32
    %mul3A_245 = arith.muli %mul3A_244, %add3A : i32
    %add3A_246 = arith.constant 0 : i32
    %add3A_247 = arith.addi %mul3A_245, %add3A_246 : i32
    %mul3A_248 = arith.constant 120 : i32
    %mul3A_249 = arith.muli %add3A_247, %mul3A_248 : i32
    %multiple_of3A = tpu.assume_multiple %mul3A_249, 120 : i32
    %dma_start3A_250 = tpu.memref_slice %arg2[%multiple_of3A] : memref<320040xi32, #tpu.memory_space<hbm>> -> memref<120xi32, #tpu.memory_space<hbm>>
    %dma_start3A_251 = tpu.memref_slice %arg2[%multiple_of3A] : memref<320040xi32, #tpu.memory_space<hbm>> -> memref<120xi32, #tpu.memory_space<hbm>>
    tpu.enqueue_dma source(%dma_start3A_251 : memref<120xi32, #tpu.memory_space<hbm>>) target(%arg6 : memref<120xi32, #tpu.memory_space<vmem>>) target_semaphore(%arg28 : memref<!tpu.dma_semaphore, #tpu.memory_space<semaphore_mem>>)
    %dma_start3A_252 = tpu.memref_slice %arg3[%multiple_of3A] : memref<320040xi32, #tpu.memory_space<hbm>> -> memref<120xi32, #tpu.memory_space<hbm>>
    %dma_start3A_253 = tpu.memref_slice %arg3[%multiple_of3A] : memref<320040xi32, #tpu.memory_space<hbm>> -> memref<120xi32, #tpu.memory_space<hbm>>
    tpu.enqueue_dma source(%dma_start3A_253 : memref<120xi32, #tpu.memory_space<hbm>>) target(%arg12 : memref<120xi32, #tpu.memory_space<vmem>>) target_semaphore(%arg28 : memref<!tpu.dma_semaphore, #tpu.memory_space<semaphore_mem>>)
    %add3A_254 = arith.constant 1 : i32
    %add3A_255 = arith.addi %mul3A_245, %add3A_254 : i32
    %mul3A_256 = arith.constant 120 : i32
    %mul3A_257 = arith.muli %add3A_255, %mul3A_256 : i32
    %multiple_of3A_258 = tpu.assume_multiple %mul3A_257, 120 : i32
    %dma_start3A_259 = tpu.memref_slice %arg2[%multiple_of3A_258] : memref<320040xi32, #tpu.memory_space<hbm>> -> memref<120xi32, #tpu.memory_space<hbm>>
    %dma_start3A_260 = tpu.memref_slice %arg2[%multiple_of3A_258] : memref<320040xi32, #tpu.memory_space<hbm>> -> memref<120xi32, #tpu.memory_space<hbm>>
    tpu.enqueue_dma source(%dma_start3A_260 : memref<120xi32, #tpu.memory_space<hbm>>) target(%arg7 : memref<120xi32, #tpu.memory_space<vmem>>) target_semaphore(%arg28 : memref<!tpu.dma_semaphore, #tpu.memory_space<semaphore_mem>>)
    %dma_start3A_261 = tpu.memref_slice %arg3[%multiple_of3A_258] : memref<320040xi32, #tpu.memory_space<hbm>> -> memref<120xi32, #tpu.memory_space<hbm>>
    %dma_start3A_262 = tpu.memref_slice %arg3[%multiple_of3A_258] : memref<320040xi32, #tpu.memory_space<hbm>> -> memref<120xi32, #tpu.memory_space<hbm>>
    tpu.enqueue_dma source(%dma_start3A_262 : memref<120xi32, #tpu.memory_space<hbm>>) target(%arg13 : memref<120xi32, #tpu.memory_space<vmem>>) target_semaphore(%arg28 : memref<!tpu.dma_semaphore, #tpu.memory_space<semaphore_mem>>)
    %add3A_263 = arith.constant 2 : i32
    %add3A_264 = arith.addi %mul3A_245, %add3A_263 : i32
    %mul3A_265 = arith.constant 120 : i32
    %mul3A_266 = arith.muli %add3A_264, %mul3A_265 : i32
    %multiple_of3A_267 = tpu.assume_multiple %mul3A_266, 120 : i32
    %dma_start3A_268 = tpu.memref_slice %arg2[%multiple_of3A_267] : memref<320040xi32, #tpu.memory_space<hbm>> -> memref<120xi32, #tpu.memory_space<hbm>>
    %dma_start3A_269 = tpu.memref_slice %arg2[%multiple_of3A_267] : memref<320040xi32, #tpu.memory_space<hbm>> -> memref<120xi32, #tpu.memory_space<hbm>>
    tpu.enqueue_dma source(%dma_start3A_269 : memref<120xi32, #tpu.memory_space<hbm>>) target(%arg8 : memref<120xi32, #tpu.memory_space<vmem>>) target_semaphore(%arg28 : memref<!tpu.dma_semaphore, #tpu.memory_space<semaphore_mem>>)
    %dma_start3A_270 = tpu.memref_slice %arg3[%multiple_of3A_267] : memref<320040xi32, #tpu.memory_space<hbm>> -> memref<120xi32, #tpu.memory_space<hbm>>
    %dma_start3A_271 = tpu.memref_slice %arg3[%multiple_of3A_267] : memref<320040xi32, #tpu.memory_space<hbm>> -> memref<120xi32, #tpu.memory_space<hbm>>
    tpu.enqueue_dma source(%dma_start3A_271 : memref<120xi32, #tpu.memory_space<hbm>>) target(%arg14 : memref<120xi32, #tpu.memory_space<vmem>>) target_semaphore(%arg28 : memref<!tpu.dma_semaphore, #tpu.memory_space<semaphore_mem>>)
    %scan3A_272 = arith.constant 0 : i32
    %scan3A_273 = arith.constant 14 : i32
    %scan3A_274 = arith.addi %scan3A_272, %scan3A_273 : i32
    %scan3A_275 = arith.constant 1 : i32
    scf.for %scan3A_292 = %scan3A_272 to %scan3A_274 step %scan3A_275  : i32 {
      %mul3A_293 = arith.constant 2 : i32
      %mul3A_294 = arith.muli %scan3A_292, %mul3A_293 : i32
      %add3A_295 = arith.constant 0 : i32
      %add3A_296 = arith.addi %add3A_295, %mul3A_294 : i32
      %add3A_297 = arith.constant 0 : i32
      %add3A_298 = arith.addi %add3A_296, %add3A_297 : i32
      %mul3A_299 = arith.constant 32 : i32
      %mul3A_300 = arith.muli %add3A_298, %mul3A_299 : i32
      %add3A_301 = arith.addi %mul3A_300, %add3A : i32
      %lt3A = arith.constant 889 : i32
      %lt3A_302 = arith.cmpi slt, %add3A_301, %lt3A : i32
      %convert_element_type3A = arith.extui %lt3A_302 : i1 to i32
      %cond3A = arith.constant 0 : i32
      %cond3A_303 = arith.cmpi ne, %convert_element_type3A, %cond3A : i32
      scf.if %cond3A_303 {
        %mul3A_314 = arith.constant 3 : i32
        %mul3A_315 = arith.muli %mul3A_314, %add3A_301 : i32
        %add3A_316 = arith.constant 0 : i32
        %add3A_317 = arith.addi %mul3A_315, %add3A_316 : i32
        %mul3A_318 = arith.constant 120 : i32
        %mul3A_319 = arith.muli %add3A_317, %mul3A_318 : i32
        %multiple_of3A_320 = tpu.assume_multiple %mul3A_319, 120 : i32
        %dma_wait3A_321 = tpu.memref_slice %arg2[%multiple_of3A_320] : memref<320040xi32, #tpu.memory_space<hbm>> -> memref<120xi32, #tpu.memory_space<hbm>>
        %dma_wait3A_322 = tpu.memref_slice %arg2[%multiple_of3A_320] : memref<320040xi32, #tpu.memory_space<hbm>> -> memref<120xi32, #tpu.memory_space<hbm>>
        tpu.wait_dma2 semaphore(%arg28 : memref<!tpu.dma_semaphore, #tpu.memory_space<semaphore_mem>>) src(%dma_wait3A_322 : memref<120xi32, #tpu.memory_space<hbm>>) dst(%arg6 : memref<120xi32, #tpu.memory_space<vmem>>)
        %dma_wait3A_323 = tpu.memref_slice %arg3[%multiple_of3A_320] : memref<320040xi32, #tpu.memory_space<hbm>> -> memref<120xi32, #tpu.memory_space<hbm>>
        %dma_wait3A_324 = tpu.memref_slice %arg3[%multiple_of3A_320] : memref<320040xi32, #tpu.memory_space<hbm>> -> memref<120xi32, #tpu.memory_space<hbm>>
        tpu.wait_dma2 semaphore(%arg28 : memref<!tpu.dma_semaphore, #tpu.memory_space<semaphore_mem>>) src(%dma_wait3A_324 : memref<120xi32, #tpu.memory_space<hbm>>) dst(%arg12 : memref<120xi32, #tpu.memory_space<vmem>>)
        %add3A_325 = arith.constant 1 : i32
        %add3A_326 = arith.addi %mul3A_315, %add3A_325 : i32
        %mul3A_327 = arith.constant 120 : i32
        %mul3A_328 = arith.muli %add3A_326, %mul3A_327 : i32
        %multiple_of3A_329 = tpu.assume_multiple %mul3A_328, 120 : i32
        %dma_wait3A_330 = tpu.memref_slice %arg2[%multiple_of3A_329] : memref<320040xi32, #tpu.memory_space<hbm>> -> memref<120xi32, #tpu.memory_space<hbm>>
        %dma_wait3A_331 = tpu.memref_slice %arg2[%multiple_of3A_329] : memref<320040xi32, #tpu.memory_space<hbm>> -> memref<120xi32, #tpu.memory_space<hbm>>
        tpu.wait_dma2 semaphore(%arg28 : memref<!tpu.dma_semaphore, #tpu.memory_space<semaphore_mem>>) src(%dma_wait3A_331 : memref<120xi32, #tpu.memory_space<hbm>>) dst(%arg7 : memref<120xi32, #tpu.memory_space<vmem>>)
        %dma_wait3A_332 = tpu.memref_slice %arg3[%multiple_of3A_329] : memref<320040xi32, #tpu.memory_space<hbm>> -> memref<120xi32, #tpu.memory_space<hbm>>
        %dma_wait3A_333 = tpu.memref_slice %arg3[%multiple_of3A_329] : memref<320040xi32, #tpu.memory_space<hbm>> -> memref<120xi32, #tpu.memory_space<hbm>>
        tpu.wait_dma2 semaphore(%arg28 : memref<!tpu.dma_semaphore, #tpu.memory_space<semaphore_mem>>) src(%dma_wait3A_333 : memref<120xi32, #tpu.memory_space<hbm>>) dst(%arg13 : memref<120xi32, #tpu.memory_space<vmem>>)
        %add3A_334 = arith.constant 2 : i32
        %add3A_335 = arith.addi %mul3A_315, %add3A_334 : i32
        %mul3A_336 = arith.constant 120 : i32
        %mul3A_337 = arith.muli %add3A_335, %mul3A_336 : i32
        %multiple_of3A_338 = tpu.assume_multiple %mul3A_337, 120 : i32
        %dma_wait3A_339 = tpu.memref_slice %arg2[%multiple_of3A_338] : memref<320040xi32, #tpu.memory_space<hbm>> -> memref<120xi32, #tpu.memory_space<hbm>>
        %dma_wait3A_340 = tpu.memref_slice %arg2[%multiple_of3A_338] : memref<320040xi32, #tpu.memory_space<hbm>> -> memref<120xi32, #tpu.memory_space<hbm>>
        tpu.wait_dma2 semaphore(%arg28 : memref<!tpu.dma_semaphore, #tpu.memory_space<semaphore_mem>>) src(%dma_wait3A_340 : memref<120xi32, #tpu.memory_space<hbm>>) dst(%arg8 : memref<120xi32, #tpu.memory_space<vmem>>)
        %dma_wait3A_341 = tpu.memref_slice %arg3[%multiple_of3A_338] : memref<320040xi32, #tpu.memory_space<hbm>> -> memref<120xi32, #tpu.memory_space<hbm>>
        %dma_wait3A_342 = tpu.memref_slice %arg3[%multiple_of3A_338] : memref<320040xi32, #tpu.memory_space<hbm>> -> memref<120xi32, #tpu.memory_space<hbm>>
        tpu.wait_dma2 semaphore(%arg28 : memref<!tpu.dma_semaphore, #tpu.memory_space<semaphore_mem>>) src(%dma_wait3A_342 : memref<120xi32, #tpu.memory_space<hbm>>) dst(%arg14 : memref<120xi32, #tpu.memory_space<vmem>>)
        %gt3A = arith.constant 0 : i32
        %gt3A_343 = arith.cmpi sgt, %add3A_298, %gt3A : i32
        %convert_element_type3A_344 = arith.extui %gt3A_343 : i1 to i32
        %cond3A_345 = arith.constant 0 : i32
        %cond3A_346 = arith.cmpi ne, %convert_element_type3A_344, %cond3A_345 : i32
        scf.if %cond3A_346 {
          %dma_wait3A_381 = arith.constant 0 : i32
          %dma_wait3A_382 = arith.constant 0 : i32
          %dma_wait3A_383 = tpu.memref_slice %arg21[%dma_wait3A_381, %dma_wait3A_382] : memref<10240x128xf32, #tpu.memory_space<vmem_shared>> -> memref<10240x128xf32, #tpu.memory_space<vmem_shared>>
          tpu.wait_indirect_dma semaphore(%arg25 : memref<!tpu.dma_semaphore, #tpu.memory_space<semaphore_mem>>) src(%arg18 : memref<120x128xf32, #tpu.memory_space<vmem>>) dst(%dma_wait3A_383 : memref<10240x128xf32, #tpu.memory_space<vmem_shared>>)
          %dma_wait3A_384 = arith.constant 0 : i32
          %dma_wait3A_385 = arith.constant 0 : i32
          %dma_wait3A_386 = tpu.memref_slice %arg21[%dma_wait3A_384, %dma_wait3A_385] : memref<10240x128xf32, #tpu.memory_space<vmem_shared>> -> memref<10240x128xf32, #tpu.memory_space<vmem_shared>>
          tpu.wait_indirect_dma semaphore(%arg26 : memref<!tpu.dma_semaphore, #tpu.memory_space<semaphore_mem>>) src(%arg19 : memref<120x128xf32, #tpu.memory_space<vmem>>) dst(%dma_wait3A_386 : memref<10240x128xf32, #tpu.memory_space<vmem_shared>>)
          %dma_wait3A_387 = arith.constant 0 : i32
          %dma_wait3A_388 = arith.constant 0 : i32
          %dma_wait3A_389 = tpu.memref_slice %arg21[%dma_wait3A_387, %dma_wait3A_388] : memref<10240x128xf32, #tpu.memory_space<vmem_shared>> -> memref<10240x128xf32, #tpu.memory_space<vmem_shared>>
          tpu.wait_indirect_dma semaphore(%arg27 : memref<!tpu.dma_semaphore, #tpu.memory_space<semaphore_mem>>) src(%arg20 : memref<120x128xf32, #tpu.memory_space<vmem>>) dst(%dma_wait3A_389 : memref<10240x128xf32, #tpu.memory_space<vmem_shared>>)
        } else {
        }
        %dma_start3A_347 = arith.constant 0 : i32
        %dma_start3A_348 = arith.constant 0 : i32
        %dma_start3A_349 = tpu.memref_slice %arg4[%dma_start3A_347, %dma_start3A_348] : memref<10000x128xf32, #tpu.memory_space<hbm>> -> memref<10000x128xf32, #tpu.memory_space<hbm>>
        tpu.enqueue_indirect_dma source(%dma_start3A_349 : memref<10000x128xf32, #tpu.memory_space<hbm>>) target(%arg18 : memref<120x128xf32, #tpu.memory_space<vmem>>) offsets(%arg6 : memref<120xi32, #tpu.memory_space<vmem>>) semaphore(%arg22 : memref<!tpu.dma_semaphore, #tpu.memory_space<semaphore_mem>>)
        %dma_start3A_350 = arith.constant 0 : i32
        %dma_start3A_351 = arith.constant 0 : i32
        %dma_start3A_352 = tpu.memref_slice %arg4[%dma_start3A_350, %dma_start3A_351] : memref<10000x128xf32, #tpu.memory_space<hbm>> -> memref<10000x128xf32, #tpu.memory_space<hbm>>
        tpu.enqueue_indirect_dma source(%dma_start3A_352 : memref<10000x128xf32, #tpu.memory_space<hbm>>) target(%arg19 : memref<120x128xf32, #tpu.memory_space<vmem>>) offsets(%arg7 : memref<120xi32, #tpu.memory_space<vmem>>) semaphore(%arg23 : memref<!tpu.dma_semaphore, #tpu.memory_space<semaphore_mem>>)
        %dma_start3A_353 = arith.constant 0 : i32
        %dma_start3A_354 = arith.constant 0 : i32
        %dma_start3A_355 = tpu.memref_slice %arg4[%dma_start3A_353, %dma_start3A_354] : memref<10000x128xf32, #tpu.memory_space<hbm>> -> memref<10000x128xf32, #tpu.memory_space<hbm>>
        tpu.enqueue_indirect_dma source(%dma_start3A_355 : memref<10000x128xf32, #tpu.memory_space<hbm>>) target(%arg20 : memref<120x128xf32, #tpu.memory_space<vmem>>) offsets(%arg8 : memref<120xi32, #tpu.memory_space<vmem>>) semaphore(%arg24 : memref<!tpu.dma_semaphore, #tpu.memory_space<semaphore_mem>>)
        %add3A_356 = arith.constant 32 : i32
        %add3A_357 = arith.addi %add3A_301, %add3A_356 : i32
        %lt3A_358 = arith.constant 889 : i32
        %lt3A_359 = arith.cmpi slt, %add3A_357, %lt3A_358 : i32
        %convert_element_type3A_360 = arith.extui %lt3A_359 : i1 to i32
        %cond3A_361 = arith.constant 0 : i32
        %cond3A_362 = arith.cmpi ne, %convert_element_type3A_360, %cond3A_361 : i32
        scf.if %cond3A_362 {
          %add3A_381 = arith.constant 32 : i32
          %add3A_382 = arith.addi %add3A_301, %add3A_381 : i32
          %mul3A_383 = arith.constant 3 : i32
          %mul3A_384 = arith.muli %mul3A_383, %add3A_382 : i32
          %add3A_385 = arith.constant 0 : i32
          %add3A_386 = arith.addi %mul3A_384, %add3A_385 : i32
          %mul3A_387 = arith.constant 120 : i32
          %mul3A_388 = arith.muli %add3A_386, %mul3A_387 : i32
          %multiple_of3A_389 = tpu.assume_multiple %mul3A_388, 120 : i32
          %dma_start3A_390 = tpu.memref_slice %arg2[%multiple_of3A_389] : memref<320040xi32, #tpu.memory_space<hbm>> -> memref<120xi32, #tpu.memory_space<hbm>>
          %dma_start3A_391 = tpu.memref_slice %arg2[%multiple_of3A_389] : memref<320040xi32, #tpu.memory_space<hbm>> -> memref<120xi32, #tpu.memory_space<hbm>>
          tpu.enqueue_dma source(%dma_start3A_391 : memref<120xi32, #tpu.memory_space<hbm>>) target(%arg9 : memref<120xi32, #tpu.memory_space<vmem>>) target_semaphore(%arg29 : memref<!tpu.dma_semaphore, #tpu.memory_space<semaphore_mem>>)
          %dma_start3A_392 = tpu.memref_slice %arg3[%multiple_of3A_389] : memref<320040xi32, #tpu.memory_space<hbm>> -> memref<120xi32, #tpu.memory_space<hbm>>
          %dma_start3A_393 = tpu.memref_slice %arg3[%multiple_of3A_389] : memref<320040xi32, #tpu.memory_space<hbm>> -> memref<120xi32, #tpu.memory_space<hbm>>
          tpu.enqueue_dma source(%dma_start3A_393 : memref<120xi32, #tpu.memory_space<hbm>>) target(%arg15 : memref<120xi32, #tpu.memory_space<vmem>>) target_semaphore(%arg29 : memref<!tpu.dma_semaphore, #tpu.memory_space<semaphore_mem>>)
          %add3A_394 = arith.constant 1 : i32
          %add3A_395 = arith.addi %mul3A_384, %add3A_394 : i32
          %mul3A_396 = arith.constant 120 : i32
          %mul3A_397 = arith.muli %add3A_395, %mul3A_396 : i32
          %multiple_of3A_398 = tpu.assume_multiple %mul3A_397, 120 : i32
          %dma_start3A_399 = tpu.memref_slice %arg2[%multiple_of3A_398] : memref<320040xi32, #tpu.memory_space<hbm>> -> memref<120xi32, #tpu.memory_space<hbm>>
          %dma_start3A_400 = tpu.memref_slice %arg2[%multiple_of3A_398] : memref<320040xi32, #tpu.memory_space<hbm>> -> memref<120xi32, #tpu.memory_space<hbm>>
          tpu.enqueue_dma source(%dma_start3A_400 : memref<120xi32, #tpu.memory_space<hbm>>) target(%arg10 : memref<120xi32, #tpu.memory_space<vmem>>) target_semaphore(%arg29 : memref<!tpu.dma_semaphore, #tpu.memory_space<semaphore_mem>>)
          %dma_start3A_401 = tpu.memref_slice %arg3[%multiple_of3A_398] : memref<320040xi32, #tpu.memory_space<hbm>> -> memref<120xi32, #tpu.memory_space<hbm>>
          %dma_start3A_402 = tpu.memref_slice %arg3[%multiple_of3A_398] : memref<320040xi32, #tpu.memory_space<hbm>> -> memref<120xi32, #tpu.memory_space<hbm>>
          tpu.enqueue_dma source(%dma_start3A_402 : memref<120xi32, #tpu.memory_space<hbm>>) target(%arg16 : memref<120xi32, #tpu.memory_space<vmem>>) target_semaphore(%arg29 : memref<!tpu.dma_semaphore, #tpu.memory_space<semaphore_mem>>)
          %add3A_403 = arith.constant 2 : i32
          %add3A_404 = arith.addi %mul3A_384, %add3A_403 : i32
          %mul3A_405 = arith.constant 120 : i32
          %mul3A_406 = arith.muli %add3A_404, %mul3A_405 : i32
          %multiple_of3A_407 = tpu.assume_multiple %mul3A_406, 120 : i32
          %dma_start3A_408 = tpu.memref_slice %arg2[%multiple_of3A_407] : memref<320040xi32, #tpu.memory_space<hbm>> -> memref<120xi32, #tpu.memory_space<hbm>>
          %dma_start3A_409 = tpu.memref_slice %arg2[%multiple_of3A_407] : memref<320040xi32, #tpu.memory_space<hbm>> -> memref<120xi32, #tpu.memory_space<hbm>>
          tpu.enqueue_dma source(%dma_start3A_409 : memref<120xi32, #tpu.memory_space<hbm>>) target(%arg11 : memref<120xi32, #tpu.memory_space<vmem>>) target_semaphore(%arg29 : memref<!tpu.dma_semaphore, #tpu.memory_space<semaphore_mem>>)
          %dma_start3A_410 = tpu.memref_slice %arg3[%multiple_of3A_407] : memref<320040xi32, #tpu.memory_space<hbm>> -> memref<120xi32, #tpu.memory_space<hbm>>
          %dma_start3A_411 = tpu.memref_slice %arg3[%multiple_of3A_407] : memref<320040xi32, #tpu.memory_space<hbm>> -> memref<120xi32, #tpu.memory_space<hbm>>
          tpu.enqueue_dma source(%dma_start3A_411 : memref<120xi32, #tpu.memory_space<hbm>>) target(%arg17 : memref<120xi32, #tpu.memory_space<vmem>>) target_semaphore(%arg29 : memref<!tpu.dma_semaphore, #tpu.memory_space<semaphore_mem>>)
        } else {
        }
        %dma_wait3A_363 = arith.constant 0 : i32
        %dma_wait3A_364 = arith.constant 0 : i32
        %dma_wait3A_365 = tpu.memref_slice %arg4[%dma_wait3A_363, %dma_wait3A_364] : memref<10000x128xf32, #tpu.memory_space<hbm>> -> memref<10000x128xf32, #tpu.memory_space<hbm>>
        tpu.wait_indirect_dma semaphore(%arg22 : memref<!tpu.dma_semaphore, #tpu.memory_space<semaphore_mem>>) src(%dma_wait3A_365 : memref<10000x128xf32, #tpu.memory_space<hbm>>) dst(%arg18 : memref<120x128xf32, #tpu.memory_space<vmem>>)
        %dma_start3A_366 = arith.constant 0 : i32
        %dma_start3A_367 = arith.constant 0 : i32
        %dma_start3A_368 = tpu.memref_slice %arg21[%dma_start3A_366, %dma_start3A_367] : memref<10240x128xf32, #tpu.memory_space<vmem_shared>> -> memref<10240x128xf32, #tpu.memory_space<vmem_shared>>
        tpu.enqueue_indirect_dma source(%arg18 : memref<120x128xf32, #tpu.memory_space<vmem>>) target(%dma_start3A_368 : memref<10240x128xf32, #tpu.memory_space<vmem_shared>>) offsets(%arg12 : memref<120xi32, #tpu.memory_space<vmem>>) semaphore(%arg25 : memref<!tpu.dma_semaphore, #tpu.memory_space<semaphore_mem>>) {add = true}
        %dma_wait3A_369 = arith.constant 0 : i32
        %dma_wait3A_370 = arith.constant 0 : i32
        %dma_wait3A_371 = tpu.memref_slice %arg4[%dma_wait3A_369, %dma_wait3A_370] : memref<10000x128xf32, #tpu.memory_space<hbm>> -> memref<10000x128xf32, #tpu.memory_space<hbm>>
        tpu.wait_indirect_dma semaphore(%arg23 : memref<!tpu.dma_semaphore, #tpu.memory_space<semaphore_mem>>) src(%dma_wait3A_371 : memref<10000x128xf32, #tpu.memory_space<hbm>>) dst(%arg19 : memref<120x128xf32, #tpu.memory_space<vmem>>)
        %dma_start3A_372 = arith.constant 0 : i32
        %dma_start3A_373 = arith.constant 0 : i32
        %dma_start3A_374 = tpu.memref_slice %arg21[%dma_start3A_372, %dma_start3A_373] : memref<10240x128xf32, #tpu.memory_space<vmem_shared>> -> memref<10240x128xf32, #tpu.memory_space<vmem_shared>>
        tpu.enqueue_indirect_dma source(%arg19 : memref<120x128xf32, #tpu.memory_space<vmem>>) target(%dma_start3A_374 : memref<10240x128xf32, #tpu.memory_space<vmem_shared>>) offsets(%arg13 : memref<120xi32, #tpu.memory_space<vmem>>) semaphore(%arg26 : memref<!tpu.dma_semaphore, #tpu.memory_space<semaphore_mem>>) {add = true}
        %dma_wait3A_375 = arith.constant 0 : i32
        %dma_wait3A_376 = arith.constant 0 : i32
        %dma_wait3A_377 = tpu.memref_slice %arg4[%dma_wait3A_375, %dma_wait3A_376] : memref<10000x128xf32, #tpu.memory_space<hbm>> -> memref<10000x128xf32, #tpu.memory_space<hbm>>
        tpu.wait_indirect_dma semaphore(%arg24 : memref<!tpu.dma_semaphore, #tpu.memory_space<semaphore_mem>>) src(%dma_wait3A_377 : memref<10000x128xf32, #tpu.memory_space<hbm>>) dst(%arg20 : memref<120x128xf32, #tpu.memory_space<vmem>>)
        %dma_start3A_378 = arith.constant 0 : i32
        %dma_start3A_379 = arith.constant 0 : i32
        %dma_start3A_380 = tpu.memref_slice %arg21[%dma_start3A_378, %dma_start3A_379] : memref<10240x128xf32, #tpu.memory_space<vmem_shared>> -> memref<10240x128xf32, #tpu.memory_space<vmem_shared>>
        tpu.enqueue_indirect_dma source(%arg20 : memref<120x128xf32, #tpu.memory_space<vmem>>) target(%dma_start3A_380 : memref<10240x128xf32, #tpu.memory_space<vmem_shared>>) offsets(%arg14 : memref<120xi32, #tpu.memory_space<vmem>>) semaphore(%arg27 : memref<!tpu.dma_semaphore, #tpu.memory_space<semaphore_mem>>) {add = true}
      } else {
      }
      %add3A_304 = arith.constant 1 : i32
      %add3A_305 = arith.addi %add3A_296, %add3A_304 : i32
      %mul3A_306 = arith.constant 32 : i32
      %mul3A_307 = arith.muli %add3A_305, %mul3A_306 : i32
      %add3A_308 = arith.addi %mul3A_307, %add3A : i32
      %lt3A_309 = arith.constant 889 : i32
      %lt3A_310 = arith.cmpi slt, %add3A_308, %lt3A_309 : i32
      %convert_element_type3A_311 = arith.extui %lt3A_310 : i1 to i32
      %cond3A_312 = arith.constant 0 : i32
      %cond3A_313 = arith.cmpi ne, %convert_element_type3A_311, %cond3A_312 : i32
      scf.if %cond3A_313 {
        %mul3A_314 = arith.constant 3 : i32
        %mul3A_315 = arith.muli %mul3A_314, %add3A_308 : i32
        %add3A_316 = arith.constant 0 : i32
        %add3A_317 = arith.addi %mul3A_315, %add3A_316 : i32
        %mul3A_318 = arith.constant 120 : i32
        %mul3A_319 = arith.muli %add3A_317, %mul3A_318 : i32
        %multiple_of3A_320 = tpu.assume_multiple %mul3A_319, 120 : i32
        %dma_wait3A_321 = tpu.memref_slice %arg2[%multiple_of3A_320] : memref<320040xi32, #tpu.memory_space<hbm>> -> memref<120xi32, #tpu.memory_space<hbm>>
        %dma_wait3A_322 = tpu.memref_slice %arg2[%multiple_of3A_320] : memref<320040xi32, #tpu.memory_space<hbm>> -> memref<120xi32, #tpu.memory_space<hbm>>
        tpu.wait_dma2 semaphore(%arg29 : memref<!tpu.dma_semaphore, #tpu.memory_space<semaphore_mem>>) src(%dma_wait3A_322 : memref<120xi32, #tpu.memory_space<hbm>>) dst(%arg9 : memref<120xi32, #tpu.memory_space<vmem>>)
        %dma_wait3A_323 = tpu.memref_slice %arg3[%multiple_of3A_320] : memref<320040xi32, #tpu.memory_space<hbm>> -> memref<120xi32, #tpu.memory_space<hbm>>
        %dma_wait3A_324 = tpu.memref_slice %arg3[%multiple_of3A_320] : memref<320040xi32, #tpu.memory_space<hbm>> -> memref<120xi32, #tpu.memory_space<hbm>>
        tpu.wait_dma2 semaphore(%arg29 : memref<!tpu.dma_semaphore, #tpu.memory_space<semaphore_mem>>) src(%dma_wait3A_324 : memref<120xi32, #tpu.memory_space<hbm>>) dst(%arg15 : memref<120xi32, #tpu.memory_space<vmem>>)
        %add3A_325 = arith.constant 1 : i32
        %add3A_326 = arith.addi %mul3A_315, %add3A_325 : i32
        %mul3A_327 = arith.constant 120 : i32
        %mul3A_328 = arith.muli %add3A_326, %mul3A_327 : i32
        %multiple_of3A_329 = tpu.assume_multiple %mul3A_328, 120 : i32
        %dma_wait3A_330 = tpu.memref_slice %arg2[%multiple_of3A_329] : memref<320040xi32, #tpu.memory_space<hbm>> -> memref<120xi32, #tpu.memory_space<hbm>>
        %dma_wait3A_331 = tpu.memref_slice %arg2[%multiple_of3A_329] : memref<320040xi32, #tpu.memory_space<hbm>> -> memref<120xi32, #tpu.memory_space<hbm>>
        tpu.wait_dma2 semaphore(%arg29 : memref<!tpu.dma_semaphore, #tpu.memory_space<semaphore_mem>>) src(%dma_wait3A_331 : memref<120xi32, #tpu.memory_space<hbm>>) dst(%arg10 : memref<120xi32, #tpu.memory_space<vmem>>)
        %dma_wait3A_332 = tpu.memref_slice %arg3[%multiple_of3A_329] : memref<320040xi32, #tpu.memory_space<hbm>> -> memref<120xi32, #tpu.memory_space<hbm>>
        %dma_wait3A_333 = tpu.memref_slice %arg3[%multiple_of3A_329] : memref<320040xi32, #tpu.memory_space<hbm>> -> memref<120xi32, #tpu.memory_space<hbm>>
        tpu.wait_dma2 semaphore(%arg29 : memref<!tpu.dma_semaphore, #tpu.memory_space<semaphore_mem>>) src(%dma_wait3A_333 : memref<120xi32, #tpu.memory_space<hbm>>) dst(%arg16 : memref<120xi32, #tpu.memory_space<vmem>>)
        %add3A_334 = arith.constant 2 : i32
        %add3A_335 = arith.addi %mul3A_315, %add3A_334 : i32
        %mul3A_336 = arith.constant 120 : i32
        %mul3A_337 = arith.muli %add3A_335, %mul3A_336 : i32
        %multiple_of3A_338 = tpu.assume_multiple %mul3A_337, 120 : i32
        %dma_wait3A_339 = tpu.memref_slice %arg2[%multiple_of3A_338] : memref<320040xi32, #tpu.memory_space<hbm>> -> memref<120xi32, #tpu.memory_space<hbm>>
        %dma_wait3A_340 = tpu.memref_slice %arg2[%multiple_of3A_338] : memref<320040xi32, #tpu.memory_space<hbm>> -> memref<120xi32, #tpu.memory_space<hbm>>
        tpu.wait_dma2 semaphore(%arg29 : memref<!tpu.dma_semaphore, #tpu.memory_space<semaphore_mem>>) src(%dma_wait3A_340 : memref<120xi32, #tpu.memory_space<hbm>>) dst(%arg11 : memref<120xi32, #tpu.memory_space<vmem>>)
        %dma_wait3A_341 = tpu.memref_slice %arg3[%multiple_of3A_338] : memref<320040xi32, #tpu.memory_space<hbm>> -> memref<120xi32, #tpu.memory_space<hbm>>
        %dma_wait3A_342 = tpu.memref_slice %arg3[%multiple_of3A_338] : memref<320040xi32, #tpu.memory_space<hbm>> -> memref<120xi32, #tpu.memory_space<hbm>>
        tpu.wait_dma2 semaphore(%arg29 : memref<!tpu.dma_semaphore, #tpu.memory_space<semaphore_mem>>) src(%dma_wait3A_342 : memref<120xi32, #tpu.memory_space<hbm>>) dst(%arg17 : memref<120xi32, #tpu.memory_space<vmem>>)
        %dma_wait3A_343 = arith.constant 0 : i32
        %dma_wait3A_344 = arith.constant 0 : i32
        %dma_wait3A_345 = tpu.memref_slice %arg21[%dma_wait3A_343, %dma_wait3A_344] : memref<10240x128xf32, #tpu.memory_space<vmem_shared>> -> memref<10240x128xf32, #tpu.memory_space<vmem_shared>>
        tpu.wait_indirect_dma semaphore(%arg25 : memref<!tpu.dma_semaphore, #tpu.memory_space<semaphore_mem>>) src(%arg18 : memref<120x128xf32, #tpu.memory_space<vmem>>) dst(%dma_wait3A_345 : memref<10240x128xf32, #tpu.memory_space<vmem_shared>>)
        %dma_wait3A_346 = arith.constant 0 : i32
        %dma_wait3A_347 = arith.constant 0 : i32
        %dma_wait3A_348 = tpu.memref_slice %arg21[%dma_wait3A_346, %dma_wait3A_347] : memref<10240x128xf32, #tpu.memory_space<vmem_shared>> -> memref<10240x128xf32, #tpu.memory_space<vmem_shared>>
        tpu.wait_indirect_dma semaphore(%arg26 : memref<!tpu.dma_semaphore, #tpu.memory_space<semaphore_mem>>) src(%arg19 : memref<120x128xf32, #tpu.memory_space<vmem>>) dst(%dma_wait3A_348 : memref<10240x128xf32, #tpu.memory_space<vmem_shared>>)
        %dma_wait3A_349 = arith.constant 0 : i32
        %dma_wait3A_350 = arith.constant 0 : i32
        %dma_wait3A_351 = tpu.memref_slice %arg21[%dma_wait3A_349, %dma_wait3A_350] : memref<10240x128xf32, #tpu.memory_space<vmem_shared>> -> memref<10240x128xf32, #tpu.memory_space<vmem_shared>>
        tpu.wait_indirect_dma semaphore(%arg27 : memref<!tpu.dma_semaphore, #tpu.memory_space<semaphore_mem>>) src(%arg20 : memref<120x128xf32, #tpu.memory_space<vmem>>) dst(%dma_wait3A_351 : memref<10240x128xf32, #tpu.memory_space<vmem_shared>>)
        %dma_start3A_352 = arith.constant 0 : i32
        %dma_start3A_353 = arith.constant 0 : i32
        %dma_start3A_354 = tpu.memref_slice %arg4[%dma_start3A_352, %dma_start3A_353] : memref<10000x128xf32, #tpu.memory_space<hbm>> -> memref<10000x128xf32, #tpu.memory_space<hbm>>
        tpu.enqueue_indirect_dma source(%dma_start3A_354 : memref<10000x128xf32, #tpu.memory_space<hbm>>) target(%arg18 : memref<120x128xf32, #tpu.memory_space<vmem>>) offsets(%arg9 : memref<120xi32, #tpu.memory_space<vmem>>) semaphore(%arg22 : memref<!tpu.dma_semaphore, #tpu.memory_space<semaphore_mem>>)
        %dma_start3A_355 = arith.constant 0 : i32
        %dma_start3A_356 = arith.constant 0 : i32
        %dma_start3A_357 = tpu.memref_slice %arg4[%dma_start3A_355, %dma_start3A_356] : memref<10000x128xf32, #tpu.memory_space<hbm>> -> memref<10000x128xf32, #tpu.memory_space<hbm>>
        tpu.enqueue_indirect_dma source(%dma_start3A_357 : memref<10000x128xf32, #tpu.memory_space<hbm>>) target(%arg19 : memref<120x128xf32, #tpu.memory_space<vmem>>) offsets(%arg10 : memref<120xi32, #tpu.memory_space<vmem>>) semaphore(%arg23 : memref<!tpu.dma_semaphore, #tpu.memory_space<semaphore_mem>>)
        %dma_start3A_358 = arith.constant 0 : i32
        %dma_start3A_359 = arith.constant 0 : i32
        %dma_start3A_360 = tpu.memref_slice %arg4[%dma_start3A_358, %dma_start3A_359] : memref<10000x128xf32, #tpu.memory_space<hbm>> -> memref<10000x128xf32, #tpu.memory_space<hbm>>
        tpu.enqueue_indirect_dma source(%dma_start3A_360 : memref<10000x128xf32, #tpu.memory_space<hbm>>) target(%arg20 : memref<120x128xf32, #tpu.memory_space<vmem>>) offsets(%arg11 : memref<120xi32, #tpu.memory_space<vmem>>) semaphore(%arg24 : memref<!tpu.dma_semaphore, #tpu.memory_space<semaphore_mem>>)
        %add3A_361 = arith.constant 32 : i32
        %add3A_362 = arith.addi %add3A_308, %add3A_361 : i32
        %lt3A_363 = arith.constant 889 : i32
        %lt3A_364 = arith.cmpi slt, %add3A_362, %lt3A_363 : i32
        %convert_element_type3A_365 = arith.extui %lt3A_364 : i1 to i32
        %cond3A_366 = arith.constant 0 : i32
        %cond3A_367 = arith.cmpi ne, %convert_element_type3A_365, %cond3A_366 : i32
        scf.if %cond3A_367 {
          %add3A_386 = arith.constant 32 : i32
          %add3A_387 = arith.addi %add3A_308, %add3A_386 : i32
          %mul3A_388 = arith.constant 3 : i32
          %mul3A_389 = arith.muli %mul3A_388, %add3A_387 : i32
          %add3A_390 = arith.constant 0 : i32
          %add3A_391 = arith.addi %mul3A_389, %add3A_390 : i32
          %mul3A_392 = arith.constant 120 : i32
          %mul3A_393 = arith.muli %add3A_391, %mul3A_392 : i32
          %multiple_of3A_394 = tpu.assume_multiple %mul3A_393, 120 : i32
          %dma_start3A_395 = tpu.memref_slice %arg2[%multiple_of3A_394] : memref<320040xi32, #tpu.memory_space<hbm>> -> memref<120xi32, #tpu.memory_space<hbm>>
          %dma_start3A_396 = tpu.memref_slice %arg2[%multiple_of3A_394] : memref<320040xi32, #tpu.memory_space<hbm>> -> memref<120xi32, #tpu.memory_space<hbm>>
          tpu.enqueue_dma source(%dma_start3A_396 : memref<120xi32, #tpu.memory_space<hbm>>) target(%arg6 : memref<120xi32, #tpu.memory_space<vmem>>) target_semaphore(%arg28 : memref<!tpu.dma_semaphore, #tpu.memory_space<semaphore_mem>>)
          %dma_start3A_397 = tpu.memref_slice %arg3[%multiple_of3A_394] : memref<320040xi32, #tpu.memory_space<hbm>> -> memref<120xi32, #tpu.memory_space<hbm>>
          %dma_start3A_398 = tpu.memref_slice %arg3[%multiple_of3A_394] : memref<320040xi32, #tpu.memory_space<hbm>> -> memref<120xi32, #tpu.memory_space<hbm>>
          tpu.enqueue_dma source(%dma_start3A_398 : memref<120xi32, #tpu.memory_space<hbm>>) target(%arg12 : memref<120xi32, #tpu.memory_space<vmem>>) target_semaphore(%arg28 : memref<!tpu.dma_semaphore, #tpu.memory_space<semaphore_mem>>)
          %add3A_399 = arith.constant 1 : i32
          %add3A_400 = arith.addi %mul3A_389, %add3A_399 : i32
          %mul3A_401 = arith.constant 120 : i32
          %mul3A_402 = arith.muli %add3A_400, %mul3A_401 : i32
          %multiple_of3A_403 = tpu.assume_multiple %mul3A_402, 120 : i32
          %dma_start3A_404 = tpu.memref_slice %arg2[%multiple_of3A_403] : memref<320040xi32, #tpu.memory_space<hbm>> -> memref<120xi32, #tpu.memory_space<hbm>>
          %dma_start3A_405 = tpu.memref_slice %arg2[%multiple_of3A_403] : memref<320040xi32, #tpu.memory_space<hbm>> -> memref<120xi32, #tpu.memory_space<hbm>>
          tpu.enqueue_dma source(%dma_start3A_405 : memref<120xi32, #tpu.memory_space<hbm>>) target(%arg7 : memref<120xi32, #tpu.memory_space<vmem>>) target_semaphore(%arg28 : memref<!tpu.dma_semaphore, #tpu.memory_space<semaphore_mem>>)
          %dma_start3A_406 = tpu.memref_slice %arg3[%multiple_of3A_403] : memref<320040xi32, #tpu.memory_space<hbm>> -> memref<120xi32, #tpu.memory_space<hbm>>
          %dma_start3A_407 = tpu.memref_slice %arg3[%multiple_of3A_403] : memref<320040xi32, #tpu.memory_space<hbm>> -> memref<120xi32, #tpu.memory_space<hbm>>
          tpu.enqueue_dma source(%dma_start3A_407 : memref<120xi32, #tpu.memory_space<hbm>>) target(%arg13 : memref<120xi32, #tpu.memory_space<vmem>>) target_semaphore(%arg28 : memref<!tpu.dma_semaphore, #tpu.memory_space<semaphore_mem>>)
          %add3A_408 = arith.constant 2 : i32
          %add3A_409 = arith.addi %mul3A_389, %add3A_408 : i32
          %mul3A_410 = arith.constant 120 : i32
          %mul3A_411 = arith.muli %add3A_409, %mul3A_410 : i32
          %multiple_of3A_412 = tpu.assume_multiple %mul3A_411, 120 : i32
          %dma_start3A_413 = tpu.memref_slice %arg2[%multiple_of3A_412] : memref<320040xi32, #tpu.memory_space<hbm>> -> memref<120xi32, #tpu.memory_space<hbm>>
          %dma_start3A_414 = tpu.memref_slice %arg2[%multiple_of3A_412] : memref<320040xi32, #tpu.memory_space<hbm>> -> memref<120xi32, #tpu.memory_space<hbm>>
          tpu.enqueue_dma source(%dma_start3A_414 : memref<120xi32, #tpu.memory_space<hbm>>) target(%arg8 : memref<120xi32, #tpu.memory_space<vmem>>) target_semaphore(%arg28 : memref<!tpu.dma_semaphore, #tpu.memory_space<semaphore_mem>>)
          %dma_start3A_415 = tpu.memref_slice %arg3[%multiple_of3A_412] : memref<320040xi32, #tpu.memory_space<hbm>> -> memref<120xi32, #tpu.memory_space<hbm>>
          %dma_start3A_416 = tpu.memref_slice %arg3[%multiple_of3A_412] : memref<320040xi32, #tpu.memory_space<hbm>> -> memref<120xi32, #tpu.memory_space<hbm>>
          tpu.enqueue_dma source(%dma_start3A_416 : memref<120xi32, #tpu.memory_space<hbm>>) target(%arg14 : memref<120xi32, #tpu.memory_space<vmem>>) target_semaphore(%arg28 : memref<!tpu.dma_semaphore, #tpu.memory_space<semaphore_mem>>)
        } else {
        }
        %dma_wait3A_368 = arith.constant 0 : i32
        %dma_wait3A_369 = arith.constant 0 : i32
        %dma_wait3A_370 = tpu.memref_slice %arg4[%dma_wait3A_368, %dma_wait3A_369] : memref<10000x128xf32, #tpu.memory_space<hbm>> -> memref<10000x128xf32, #tpu.memory_space<hbm>>
        tpu.wait_indirect_dma semaphore(%arg22 : memref<!tpu.dma_semaphore, #tpu.memory_space<semaphore_mem>>) src(%dma_wait3A_370 : memref<10000x128xf32, #tpu.memory_space<hbm>>) dst(%arg18 : memref<120x128xf32, #tpu.memory_space<vmem>>)
        %dma_start3A_371 = arith.constant 0 : i32
        %dma_start3A_372 = arith.constant 0 : i32
        %dma_start3A_373 = tpu.memref_slice %arg21[%dma_start3A_371, %dma_start3A_372] : memref<10240x128xf32, #tpu.memory_space<vmem_shared>> -> memref<10240x128xf32, #tpu.memory_space<vmem_shared>>
        tpu.enqueue_indirect_dma source(%arg18 : memref<120x128xf32, #tpu.memory_space<vmem>>) target(%dma_start3A_373 : memref<10240x128xf32, #tpu.memory_space<vmem_shared>>) offsets(%arg15 : memref<120xi32, #tpu.memory_space<vmem>>) semaphore(%arg25 : memref<!tpu.dma_semaphore, #tpu.memory_space<semaphore_mem>>) {add = true}
        %dma_wait3A_374 = arith.constant 0 : i32
        %dma_wait3A_375 = arith.constant 0 : i32
        %dma_wait3A_376 = tpu.memref_slice %arg4[%dma_wait3A_374, %dma_wait3A_375] : memref<10000x128xf32, #tpu.memory_space<hbm>> -> memref<10000x128xf32, #tpu.memory_space<hbm>>
        tpu.wait_indirect_dma semaphore(%arg23 : memref<!tpu.dma_semaphore, #tpu.memory_space<semaphore_mem>>) src(%dma_wait3A_376 : memref<10000x128xf32, #tpu.memory_space<hbm>>) dst(%arg19 : memref<120x128xf32, #tpu.memory_space<vmem>>)
        %dma_start3A_377 = arith.constant 0 : i32
        %dma_start3A_378 = arith.constant 0 : i32
        %dma_start3A_379 = tpu.memref_slice %arg21[%dma_start3A_377, %dma_start3A_378] : memref<10240x128xf32, #tpu.memory_space<vmem_shared>> -> memref<10240x128xf32, #tpu.memory_space<vmem_shared>>
        tpu.enqueue_indirect_dma source(%arg19 : memref<120x128xf32, #tpu.memory_space<vmem>>) target(%dma_start3A_379 : memref<10240x128xf32, #tpu.memory_space<vmem_shared>>) offsets(%arg16 : memref<120xi32, #tpu.memory_space<vmem>>) semaphore(%arg26 : memref<!tpu.dma_semaphore, #tpu.memory_space<semaphore_mem>>) {add = true}
        %dma_wait3A_380 = arith.constant 0 : i32
        %dma_wait3A_381 = arith.constant 0 : i32
        %dma_wait3A_382 = tpu.memref_slice %arg4[%dma_wait3A_380, %dma_wait3A_381] : memref<10000x128xf32, #tpu.memory_space<hbm>> -> memref<10000x128xf32, #tpu.memory_space<hbm>>
        tpu.wait_indirect_dma semaphore(%arg24 : memref<!tpu.dma_semaphore, #tpu.memory_space<semaphore_mem>>) src(%dma_wait3A_382 : memref<10000x128xf32, #tpu.memory_space<hbm>>) dst(%arg20 : memref<120x128xf32, #tpu.memory_space<vmem>>)
        %dma_start3A_383 = arith.constant 0 : i32
        %dma_start3A_384 = arith.constant 0 : i32
        %dma_start3A_385 = tpu.memref_slice %arg21[%dma_start3A_383, %dma_start3A_384] : memref<10240x128xf32, #tpu.memory_space<vmem_shared>> -> memref<10240x128xf32, #tpu.memory_space<vmem_shared>>
        tpu.enqueue_indirect_dma source(%arg20 : memref<120x128xf32, #tpu.memory_space<vmem>>) target(%dma_start3A_385 : memref<10240x128xf32, #tpu.memory_space<vmem_shared>>) offsets(%arg17 : memref<120xi32, #tpu.memory_space<vmem>>) semaphore(%arg27 : memref<!tpu.dma_semaphore, #tpu.memory_space<semaphore_mem>>) {add = true}
      } else {
      }
    }
    %scan3A_276 = arith.constant 14 : i32
    %dma_wait3A_277 = arith.constant 0 : i32
    %dma_wait3A_278 = arith.constant 0 : i32
    %dma_wait3A_279 = tpu.memref_slice %arg21[%dma_wait3A_277, %dma_wait3A_278] : memref<10240x128xf32, #tpu.memory_space<vmem_shared>> -> memref<10240x128xf32, #tpu.memory_space<vmem_shared>>
    tpu.wait_indirect_dma semaphore(%arg25 : memref<!tpu.dma_semaphore, #tpu.memory_space<semaphore_mem>>) src(%arg18 : memref<120x128xf32, #tpu.memory_space<vmem>>) dst(%dma_wait3A_279 : memref<10240x128xf32, #tpu.memory_space<vmem_shared>>)
    %dma_wait3A_280 = arith.constant 0 : i32
    %dma_wait3A_281 = arith.constant 0 : i32
    %dma_wait3A_282 = tpu.memref_slice %arg21[%dma_wait3A_280, %dma_wait3A_281] : memref<10240x128xf32, #tpu.memory_space<vmem_shared>> -> memref<10240x128xf32, #tpu.memory_space<vmem_shared>>
    tpu.wait_indirect_dma semaphore(%arg26 : memref<!tpu.dma_semaphore, #tpu.memory_space<semaphore_mem>>) src(%arg19 : memref<120x128xf32, #tpu.memory_space<vmem>>) dst(%dma_wait3A_282 : memref<10240x128xf32, #tpu.memory_space<vmem_shared>>)
    %dma_wait3A_283 = arith.constant 0 : i32
    %dma_wait3A_284 = arith.constant 0 : i32
    %dma_wait3A_285 = tpu.memref_slice %arg21[%dma_wait3A_283, %dma_wait3A_284] : memref<10240x128xf32, #tpu.memory_space<vmem_shared>> -> memref<10240x128xf32, #tpu.memory_space<vmem_shared>>
    tpu.wait_indirect_dma semaphore(%arg27 : memref<!tpu.dma_semaphore, #tpu.memory_space<semaphore_mem>>) src(%arg20 : memref<120x128xf32, #tpu.memory_space<vmem>>) dst(%dma_wait3A_285 : memref<10240x128xf32, #tpu.memory_space<vmem_shared>>)
    %barrier3A_286 = arith.constant 0 : index
    tpu.barrier barrier_id(%barrier3A_286)
    %mul3A_287 = arith.constant 640 : i32
    %mul3A_288 = arith.muli %arg1, %mul3A_287 : i32
    %mul3A_289 = arith.constant 10240 : i32
    %mul3A_290 = arith.muli %arg0, %mul3A_289 : i32
    %add3A_291 = arith.addi %mul3A_290, %mul3A_288 : i32
    "tpu.region"() ({
      %run_scoped3A = tpu.sem_alloc : memref<!tpu.dma_semaphore, #tpu.memory_space<semaphore_mem>>
      %dma_start3A_292 = arith.constant 0 : i32
      %dma_start3A_293 = tpu.memref_slice %arg5[%add3A_291, %dma_start3A_292] : memref<20480x128xf32, #tpu.memory_space<hbm>> -> memref<640x128xf32, #tpu.memory_space<hbm>>
      %dma_start3A_294 = arith.constant 0 : i32
      %dma_start3A_295 = tpu.memref_slice %arg21[%mul3A_288, %dma_start3A_294] : memref<10240x128xf32, #tpu.memory_space<vmem_shared>> -> memref<640x128xf32, #tpu.memory_space<vmem_shared>>
      tpu.enqueue_dma source(%dma_start3A_295 : memref<640x128xf32, #tpu.memory_space<vmem_shared>>) target(%dma_start3A_293 : memref<640x128xf32, #tpu.memory_space<hbm>>) target_semaphore(%run_scoped3A : memref<!tpu.dma_semaphore, #tpu.memory_space<semaphore_mem>>)
      %dma_wait3A_296 = arith.constant 0 : i32
      %dma_wait3A_297 = tpu.memref_slice %arg5[%add3A_291, %dma_wait3A_296] : memref<20480x128xf32, #tpu.memory_space<hbm>> -> memref<640x128xf32, #tpu.memory_space<hbm>>
      %dma_wait3A_298 = arith.constant 0 : i32
      %dma_wait3A_299 = tpu.memref_slice %arg21[%mul3A_288, %dma_wait3A_298] : memref<10240x128xf32, #tpu.memory_space<vmem_shared>> -> memref<640x128xf32, #tpu.memory_space<vmem_shared>>
      tpu.wait_dma2 semaphore(%run_scoped3A : memref<!tpu.dma_semaphore, #tpu.memory_space<semaphore_mem>>) src(%dma_wait3A_299 : memref<640x128xf32, #tpu.memory_space<vmem_shared>>) dst(%dma_wait3A_297 : memref<640x128xf32, #tpu.memory_space<hbm>>)
      tpu.yield
    }) : () -> ()
    return
  }
}

module attributes {stable_mosaic.version = 14 : i64} {
  func.func @_stage1_body(%arg0: i32, %arg1: memref<1x128xf32, #tpu.memory_space<vmem>>, %arg2: memref<1000x128xf32, #tpu.memory_space<vmem>>, %arg3: memref<128x128xf32, #tpu.memory_space<vmem>>, %arg4: memref<1x128xf32, #tpu.memory_space<vmem>>, %arg5: memref<1000x128xf32, #tpu.memory_space<vmem>>, %arg6: memref<1000x128xf32, #tpu.memory_space<vmem>>) attributes {dimension_semantics = [#tpu.dimension_semantics<arbitrary>], iteration_bounds = array<i64: 10>, scalar_prefetch = 0 : i64, scratch_operands = 0 : i64, tpu.core_type = #tpu.core_type<tc>, window_params = [{pipeline_mode = #tpu.pipeline_mode<synchronous>, transform_indices = @transform_0, window_bounds = array<i64: 1, 128>}, {transform_indices = @transform_1, window_bounds = array<i64: 1000, 128>}, {pipeline_mode = #tpu.pipeline_mode<synchronous>, transform_indices = @transform_2, window_bounds = array<i64: 128, 128>}, {pipeline_mode = #tpu.pipeline_mode<synchronous>, transform_indices = @transform_3, window_bounds = array<i64: 1, 128>}, {transform_indices = @transform_4, window_bounds = array<i64: 1000, 128>}, {transform_indices = @transform_5, window_bounds = array<i64: 1000, 128>}]} {
    %get3A = arith.constant 0 : index
    %get3A_0 = arith.constant 0 : index
    %get3A_1 = vector.load %arg2[%get3A, %get3A_0] : memref<1000x128xf32, #tpu.memory_space<vmem>>, vector<1000x128xf32>
    %get3A_2 = arith.constant 0 : index
    %get3A_3 = arith.constant 0 : index
    %get3A_4 = vector.load %arg3[%get3A_2, %get3A_3] : memref<128x128xf32, #tpu.memory_space<vmem>>, vector<128x128xf32>
    %dot_general3A = arith.constant dense<0.000000e+00> : vector<1000x128xf32>
    %dot_general3A_5 = tpu.matmul %get3A_1, %get3A_4, %dot_general3A {dimension_numbers = #tpu.dot_dimension_numbers<[1], [0], [0], [1], [0, 0, 1, 1], [], []>, precision = #tpu.contract_precision<fp32>, transpose_lhs_hint = false} : vector<1000x128xf32>, vector<128x128xf32>, vector<1000x128xf32> -> vector<1000x128xf32>
    %get3A_6 = arith.constant 0 : index
    %get3A_7 = arith.constant 0 : index
    %get3A_8 = vector.load %arg4[%get3A_6, %get3A_7] : memref<1x128xf32, #tpu.memory_space<vmem>>, vector<1x128xf32>
    %add3A = vector.broadcast %get3A_8 : vector<1x128xf32> to vector<1000x128xf32>
    %add3A_9 = arith.addf %dot_general3A_5, %add3A : vector<1000x128xf32>
    %max3A = arith.constant 0.000000e+00 : f32
    %max3A_10 = vector.broadcast %max3A : f32 to vector<1000x128xf32>
    %max3A_11 = arith.maximumf %add3A_9, %max3A_10 : vector<1000x128xf32>
    %swap3A = arith.constant 0 : index
    %swap3A_12 = arith.constant 0 : index
    %swap3A_13 = vector.load %arg5[%swap3A, %swap3A_12] : memref<1000x128xf32, #tpu.memory_space<vmem>>, vector<1000x128xf32>
    tpu.vector_store %arg5[%swap3A, %swap3A_12], %max3A_11 {strides = array<i32>} : memref<1000x128xf32, #tpu.memory_space<vmem>>, vector<1000x128xf32>,
    %get3A_14 = arith.constant 0 : index
    %get3A_15 = arith.constant 0 : index
    %get3A_16 = vector.load %arg1[%get3A_14, %get3A_15] : memref<1x128xf32, #tpu.memory_space<vmem>>, vector<1x128xf32>
    %gt3A = arith.constant 0.000000e+00 : f32
    %gt3A_17 = vector.broadcast %gt3A : f32 to vector<1000x128xf32>
    %gt3A_18 = arith.cmpf ogt, %max3A_11, %gt3A_17 : vector<1000x128xf32>
    %jit3A = arith.constant 1.000000e+00 : f32
    %broadcast_in_dim3A = vector.broadcast %jit3A : f32 to vector<1000x128xf32>
    %select_n3A = arith.select %gt3A_18, %max3A_11, %broadcast_in_dim3A : vector<1000x128xi1>, vector<1000x128xf32>
    %gt3A_19 = arith.constant 0.000000e+00 : f32
    %gt3A_20 = vector.broadcast %gt3A_19 : f32 to vector<1000x128xf32>
    %gt3A_21 = arith.cmpf ogt, %max3A_11, %gt3A_20 : vector<1000x128xf32>
    %log3A = math.log %select_n3A : vector<1000x128xf32>
    %mul3A = vector.broadcast %get3A_16 : vector<1x128xf32> to vector<1000x128xf32>
    %mul3A_22 = arith.mulf %mul3A, %log3A : vector<1000x128xf32>
    %exp3A = math.exp %mul3A_22 : vector<1000x128xf32>
    %jit3A_23 = arith.constant 0.000000e+00 : f32
    %broadcast_in_dim3A_24 = vector.broadcast %jit3A_23 : f32 to vector<1000x128xf32>
    %select_n3A_25 = arith.select %gt3A_21, %exp3A, %broadcast_in_dim3A_24 : vector<1000x128xi1>, vector<1000x128xf32>
    %swap3A_26 = arith.constant 0 : index
    %swap3A_27 = arith.constant 0 : index
    %swap3A_28 = vector.load %arg6[%swap3A_26, %swap3A_27] : memref<1000x128xf32, #tpu.memory_space<vmem>>, vector<1000x128xf32>
    tpu.vector_store %arg6[%swap3A_26, %swap3A_27], %select_n3A_25 {strides = array<i32>} : memref<1000x128xf32, #tpu.memory_space<vmem>>, vector<1000x128xf32>,
    return
  }
  func.func @transform_0(%arg0: i32) -> (i32, i32) {
    %c0_i32 = arith.constant 0 : i32
    %c0_i32_0 = arith.constant 0 : i32
    %c0_i32_1 = arith.constant 0 : i32
    return %c0_i32, %c0_i32_0 : i32, i32
  }
  func.func @transform_1(%arg0: i32) -> (i32, i32) {
    %c0_i32 = arith.constant 0 : i32
    %c0_i32_0 = arith.constant 0 : i32
    return %arg0, %c0_i32 : i32, i32
  }
  func.func @transform_2(%arg0: i32) -> (i32, i32) {
    %c0_i32 = arith.constant 0 : i32
    %c0_i32_0 = arith.constant 0 : i32
    %c0_i32_1 = arith.constant 0 : i32
    return %c0_i32, %c0_i32_0 : i32, i32
  }
  func.func @transform_3(%arg0: i32) -> (i32, i32) {
    %c0_i32 = arith.constant 0 : i32
    %c0_i32_0 = arith.constant 0 : i32
    %c0_i32_1 = arith.constant 0 : i32
    return %c0_i32, %c0_i32_0 : i32, i32
  }
  func.func @transform_4(%arg0: i32) -> (i32, i32) {
    %c0_i32 = arith.constant 0 : i32
    %c0_i32_0 = arith.constant 0 : i32
    return %arg0, %c0_i32 : i32, i32
  }
  func.func @transform_5(%arg0: i32) -> (i32, i32) {
    %c0_i32 = arith.constant 0 : i32
    %c0_i32_0 = arith.constant 0 : i32
    return %arg0, %c0_i32 : i32, i32
  }
}

module attributes {stable_mosaic.version = 14 : i64} {
  func.func @_stage2t_body(%arg0: i32, %arg1: memref<1000x128xf32, #tpu.memory_space<vmem>>, %arg2: memref<128x128xf32, #tpu.memory_space<vmem>>, %arg3: memref<1x128xf32, #tpu.memory_space<vmem>>, %arg4: memref<1000x128xf32, #tpu.memory_space<vmem>>) attributes {dimension_semantics = [#tpu.dimension_semantics<arbitrary>], iteration_bounds = array<i64: 10>, scalar_prefetch = 0 : i64, scratch_operands = 0 : i64, tpu.core_type = #tpu.core_type<tc>, window_params = [{transform_indices = @transform_0, window_bounds = array<i64: 1000, 128>}, {pipeline_mode = #tpu.pipeline_mode<synchronous>, transform_indices = @transform_1, window_bounds = array<i64: 128, 128>}, {pipeline_mode = #tpu.pipeline_mode<synchronous>, transform_indices = @transform_2, window_bounds = array<i64: 1, 128>}, {transform_indices = @transform_3, window_bounds = array<i64: 1000, 128>}]} {
    %get3A = arith.constant 0 : index
    %get3A_0 = arith.constant 0 : index
    %get3A_1 = vector.load %arg1[%get3A, %get3A_0] : memref<1000x128xf32, #tpu.memory_space<vmem>>, vector<1000x128xf32>
    %get3A_2 = arith.constant 0 : index
    %get3A_3 = arith.constant 0 : index
    %get3A_4 = vector.load %arg2[%get3A_2, %get3A_3] : memref<128x128xf32, #tpu.memory_space<vmem>>, vector<128x128xf32>
    %dot_general3A = arith.constant dense<0.000000e+00> : vector<1000x128xf32>
    %dot_general3A_5 = tpu.matmul %get3A_1, %get3A_4, %dot_general3A {dimension_numbers = #tpu.dot_dimension_numbers<[1], [0], [0], [1], [0, 0, 1, 1], [], []>, precision = #tpu.contract_precision<fp32>, transpose_lhs_hint = false} : vector<1000x128xf32>, vector<128x128xf32>, vector<1000x128xf32> -> vector<1000x128xf32>
    %get3A_6 = arith.constant 0 : index
    %get3A_7 = arith.constant 0 : index
    %get3A_8 = vector.load %arg3[%get3A_6, %get3A_7] : memref<1x128xf32, #tpu.memory_space<vmem>>, vector<1x128xf32>
    %add3A = vector.broadcast %get3A_8 : vector<1x128xf32> to vector<1000x128xf32>
    %add3A_9 = arith.addf %dot_general3A_5, %add3A : vector<1000x128xf32>
    %swap3A = arith.constant 0 : index
    %swap3A_10 = arith.constant 0 : index
    %swap3A_11 = vector.load %arg4[%swap3A, %swap3A_10] : memref<1000x128xf32, #tpu.memory_space<vmem>>, vector<1000x128xf32>
    tpu.vector_store %arg4[%swap3A, %swap3A_10], %add3A_9 {strides = array<i32>} : memref<1000x128xf32, #tpu.memory_space<vmem>>, vector<1000x128xf32>,
    return
  }
  func.func @transform_0(%arg0: i32) -> (i32, i32) {
    %c0_i32 = arith.constant 0 : i32
    %c0_i32_0 = arith.constant 0 : i32
    return %arg0, %c0_i32 : i32, i32
  }
  func.func @transform_1(%arg0: i32) -> (i32, i32) {
    %c0_i32 = arith.constant 0 : i32
    %c0_i32_0 = arith.constant 0 : i32
    %c0_i32_1 = arith.constant 0 : i32
    return %c0_i32, %c0_i32_0 : i32, i32
  }
  func.func @transform_2(%arg0: i32) -> (i32, i32) {
    %c0_i32 = arith.constant 0 : i32
    %c0_i32_0 = arith.constant 0 : i32
    %c0_i32_1 = arith.constant 0 : i32
    return %c0_i32, %c0_i32_0 : i32, i32
  }
  func.func @transform_3(%arg0: i32) -> (i32, i32) {
    %c0_i32 = arith.constant 0 : i32
    %c0_i32_0 = arith.constant 0 : i32
    return %arg0, %c0_i32 : i32, i32
  }
}

module attributes {stable_mosaic.version = 14 : i64} {
  func.func @_stage3_body(%arg0: i32, %arg1: memref<1x128xf32, #tpu.memory_space<vmem>>, %arg2: memref<1000x128xf32, #tpu.memory_space<vmem>>, %arg3: memref<2x1000x128xf32, #tpu.memory_space<vmem>>, %arg4: memref<128x128xf32, #tpu.memory_space<vmem>>, %arg5: memref<1x128xf32, #tpu.memory_space<vmem>>, %arg6: memref<1000x128xf32, #tpu.memory_space<vmem>>) attributes {dimension_semantics = [#tpu.dimension_semantics<arbitrary>], iteration_bounds = array<i64: 10>, scalar_prefetch = 0 : i64, scratch_operands = 0 : i64, tpu.core_type = #tpu.core_type<tc>, window_params = [{pipeline_mode = #tpu.pipeline_mode<synchronous>, transform_indices = @transform_0, window_bounds = array<i64: 1, 128>}, {transform_indices = @transform_1, window_bounds = array<i64: 1000, 128>}, {transform_indices = @transform_2, window_bounds = array<i64: 2, 1000, 128>}, {pipeline_mode = #tpu.pipeline_mode<synchronous>, transform_indices = @transform_3, window_bounds = array<i64: 128, 128>}, {pipeline_mode = #tpu.pipeline_mode<synchronous>, transform_indices = @transform_4, window_bounds = array<i64: 1, 128>}, {transform_indices = @transform_5, window_bounds = array<i64: 1000, 128>}]} {
    %get3A = arith.constant 0 : index
    %get3A_0 = arith.constant 0 : index
    %get3A_1 = arith.constant 0 : index
    %get3A_2 = vector.load %arg3[%get3A, %get3A_0, %get3A_1] : memref<2x1000x128xf32, #tpu.memory_space<vmem>>, vector<2x1000x128xf32>
    %slice3A = vector.extract_strided_slice %get3A_2 {offsets = [0, 0, 0], sizes = [1, 1000, 128], strides = [1, 1, 1]} : vector<2x1000x128xf32> to vector<1x1000x128xf32>
    %squeeze3A = vector.shape_cast %slice3A : vector<1x1000x128xf32> to vector<1000x128xf32>
    %slice3A_3 = vector.extract_strided_slice %get3A_2 {offsets = [1, 0, 0], sizes = [1, 1000, 128], strides = [1, 1, 1]} : vector<2x1000x128xf32> to vector<1x1000x128xf32>
    %squeeze3A_4 = vector.shape_cast %slice3A_3 : vector<1x1000x128xf32> to vector<1000x128xf32>
    %add3A = arith.addf %squeeze3A, %squeeze3A_4 : vector<1000x128xf32>
    %get3A_5 = arith.constant 0 : index
    %get3A_6 = arith.constant 0 : index
    %get3A_7 = vector.load %arg1[%get3A_5, %get3A_6] : memref<1x128xf32, #tpu.memory_space<vmem>>, vector<1x128xf32>
    %gt3A = arith.constant 0.000000e+00 : f32
    %gt3A_8 = vector.broadcast %gt3A : f32 to vector<1000x128xf32>
    %gt3A_9 = arith.cmpf ogt, %add3A, %gt3A_8 : vector<1000x128xf32>
    %jit3A = arith.constant 1.000000e+00 : f32
    %broadcast_in_dim3A = vector.broadcast %jit3A : f32 to vector<1000x128xf32>
    %select_n3A = arith.select %gt3A_9, %add3A, %broadcast_in_dim3A : vector<1000x128xi1>, vector<1000x128xf32>
    %gt3A_10 = arith.constant 0.000000e+00 : f32
    %gt3A_11 = vector.broadcast %gt3A_10 : f32 to vector<1000x128xf32>
    %gt3A_12 = arith.cmpf ogt, %add3A, %gt3A_11 : vector<1000x128xf32>
    %log3A = math.log %select_n3A : vector<1000x128xf32>
    %mul3A = vector.broadcast %get3A_7 : vector<1x128xf32> to vector<1000x128xf32>
    %mul3A_13 = arith.mulf %mul3A, %log3A : vector<1000x128xf32>
    %exp3A = math.exp %mul3A_13 : vector<1000x128xf32>
    %jit3A_14 = arith.constant 0.000000e+00 : f32
    %broadcast_in_dim3A_15 = vector.broadcast %jit3A_14 : f32 to vector<1000x128xf32>
    %select_n3A_16 = arith.select %gt3A_12, %exp3A, %broadcast_in_dim3A_15 : vector<1000x128xi1>, vector<1000x128xf32>
    %get3A_17 = arith.constant 0 : index
    %get3A_18 = arith.constant 0 : index
    %get3A_19 = vector.load %arg2[%get3A_17, %get3A_18] : memref<1000x128xf32, #tpu.memory_space<vmem>>, vector<1000x128xf32>
    %get3A_20 = arith.constant 0 : index
    %get3A_21 = arith.constant 0 : index
    %get3A_22 = vector.load %arg4[%get3A_20, %get3A_21] : memref<128x128xf32, #tpu.memory_space<vmem>>, vector<128x128xf32>
    %dot_general3A = arith.constant dense<0.000000e+00> : vector<1000x128xf32>
    %dot_general3A_23 = tpu.matmul %select_n3A_16, %get3A_22, %dot_general3A {dimension_numbers = #tpu.dot_dimension_numbers<[1], [0], [0], [1], [0, 0, 1, 1], [], []>, precision = #tpu.contract_precision<fp32>, transpose_lhs_hint = false} : vector<1000x128xf32>, vector<128x128xf32>, vector<1000x128xf32> -> vector<1000x128xf32>
    %add3A_24 = arith.addf %get3A_19, %dot_general3A_23 : vector<1000x128xf32>
    %get3A_25 = arith.constant 0 : index
    %get3A_26 = arith.constant 0 : index
    %get3A_27 = vector.load %arg5[%get3A_25, %get3A_26] : memref<1x128xf32, #tpu.memory_space<vmem>>, vector<1x128xf32>
    %add3A_28 = vector.broadcast %get3A_27 : vector<1x128xf32> to vector<1000x128xf32>
    %add3A_29 = arith.addf %add3A_24, %add3A_28 : vector<1000x128xf32>
    %swap3A = arith.constant 0 : index
    %swap3A_30 = arith.constant 0 : index
    %swap3A_31 = vector.load %arg6[%swap3A, %swap3A_30] : memref<1000x128xf32, #tpu.memory_space<vmem>>, vector<1000x128xf32>
    tpu.vector_store %arg6[%swap3A, %swap3A_30], %add3A_29 {strides = array<i32>} : memref<1000x128xf32, #tpu.memory_space<vmem>>, vector<1000x128xf32>,
    return
  }
  func.func @transform_0(%arg0: i32) -> (i32, i32) {
    %c0_i32 = arith.constant 0 : i32
    %c0_i32_0 = arith.constant 0 : i32
    %c0_i32_1 = arith.constant 0 : i32
    return %c0_i32, %c0_i32_0 : i32, i32
  }
  func.func @transform_1(%arg0: i32) -> (i32, i32) {
    %c0_i32 = arith.constant 0 : i32
    %c0_i32_0 = arith.constant 0 : i32
    return %arg0, %c0_i32 : i32, i32
  }
  func.func @transform_2(%arg0: i32) -> (i32, i32, i32) {
    %c0_i32 = arith.constant 0 : i32
    %c0_i32_0 = arith.constant 0 : i32
    %c0_i32_1 = arith.constant 0 : i32
    return %c0_i32, %arg0, %c0_i32_0 : i32, i32, i32
  }
  func.func @transform_3(%arg0: i32) -> (i32, i32) {
    %c0_i32 = arith.constant 0 : i32
    %c0_i32_0 = arith.constant 0 : i32
    %c0_i32_1 = arith.constant 0 : i32
    return %c0_i32, %c0_i32_0 : i32, i32
  }
  func.func @transform_4(%arg0: i32) -> (i32, i32) {
    %c0_i32 = arith.constant 0 : i32
    %c0_i32_0 = arith.constant 0 : i32
    %c0_i32_1 = arith.constant 0 : i32
    return %c0_i32, %c0_i32_0 : i32, i32
  }
  func.func @transform_5(%arg0: i32) -> (i32, i32) {
    %c0_i32 = arith.constant 0 : i32
    %c0_i32_0 = arith.constant 0 : i32
    return %arg0, %c0_i32 : i32, i32
  }
}

</mosaic_0001>

<sc_bundles>
// kernel: kernel.6.cloned.1.call-start
scs
__scs_entry_jumppad:
0x0: {  	(pc) =	sbr.rel $0x88, $3  }
0x1: {  	(tag) =	ssettag $0x0;
	lr =	simm.s32 $0x1  }
0x2: {  	[smem:$0x3F98] =	sst lr;
	_ =	strace $0xD0000000  }
0x3: {  	_ = 	snop  }
0x4: {  	_ = 	snop  }
0x5: {  	_ = 	snop  }
0x6: {  	_ = 	snop  }
0x7: {  	_ = 	snop  }
__scs_overlays_trampoline_lowered:
0x8: {  	[smem:$0x3FA7] =	sst s0  }
0x9: {  	[smem:$0x3FA8] =	sst s1  }
0xa: {  	[smem:$0x3FA9] =	sst s2  }
0xb: {  	[smem:$0x3FAA] =	sst s3  }
0xc: {  	[smem:$0x3FAB] =	sst s4  }
0xd: {  	[smem:$0x3FAC] =	sst s5  }
0xe: {  	[smem:$0x3FAD] =	sst s6  }
0xf: {  	[smem:$0x3FAE] =	sst s7  }
0x10: {  	[smem:$0x3FAF] =	sst s8  }
0x11: {  	[smem:$0x3FB0] =	sst s9;
	s0 =	simm.s32 @!p0 $0x0  }
0x12: {  	s1 =	sld [smem:$0x3F96];
	s0 =	simm.s32 @p0 $0x1  }
0x13: {  	[smem:$0x3FB1] =	sst s0;
	s0 =	simm.s32 @!p1 $0x0  }
0x14: {  	s2 =	sld [smem:$0x3F95];
	s0 =	simm.s32 @p1 $0x1  }
0x15: {  	[smem:$0x3FB2] =	sst s0;
	s0 =	simm.s32 @!p2 $0x0  }
0x16: {  	s3 =	sld [smem:$0x3FDB];
	s0 =	simm.s32 @p2 $0x1  }
0x17: {  	s4 =	simm.s32 $0x1BF5;
	[smem:$0x3FB4] =	sst s0  }
0x18: {  	s0 =	sld [smem:$0x3F97];
	_ =	swait.ge [sflag:s4], $0x0  }
0x19: {  	s7 =	sld [smem:$0x3F98]  }
0x1a: {  	s8 =	sadd.s32 $0xFFFFE003, lr  }
0x1b: {  	s9 =	sadd.s32 $0xFFFFFEF7, lr;
	s5 =	simm.s32 $0xFFFFFFFF;
	p2 =	slt.u32 s8, $0xFFFFF086  }
0x1c: {  	p1 =	slt.u32 s9, $0xF7A;
	s5 =	simm.s32 @!p2 $0x0  }
0x1d: {  	s5 =	simm.s32 @p1 $0x1;
	p0 =	seq.s32 s7, s2  }
0x1e: {  	s7 =	smul.u32 @!p0 $0xF7A, s2;
	p2 =	seq.s32 @!p0 s5, $0x0  }
0x1f: {  	s9 =	smul.u32 $0xF7A, s1;
	s8 =	simm.s32 @!p0 $0x1BF5;
	p2 =	por !p2, p0  }
0x20: {  	[sflag:s8] =	ssyncset.s32 @!p0 $0xFFFFF086;
	s6 =	sadd.s32 @!p0 s3, s7;
	s7 =	simm.s32 @!p0 $0x108  }
0x21: {  	s3 =	sadd.s32 s3, s9;
	s6 =	sadd.s32 @!p0 $0x88, s6;
	s7 =	simm.s32 @p2 $0x1082  }
0x22: {  	[simem:s7], [sflag:s8] =	dma.local @!p0 [hbm:s6], $0xF7A  }
0x23: {  	s9 =	sor.u32 $0xD0000000, s2;
	s6 =	simm.s32 $0x108;
	_ =	swait.ge @!p0 [sflag:s8], $0x0  }
0x24: {  	s3 =	sadd.s32 $0x88, s3;
	s6 =	simm.s32 @!p1 $0x1082;
	[sflag:s4] =	ssyncset.s32 $0xFFFFF086  }
0x25: {  	[simem:s6], [sflag:s4] =	dma.local [hbm:s3], $0xF7A  }
0x26: {  	[smem:$0x3F98] =	sst s1;
	(tag) =	ssettag s2;
	_ =	strace s9  }
0x27: {  	s1 =	sld [smem:$0x3FA8]  }
0x28: {  	s2 =	sld [smem:$0x3FA9]  }
0x29: {  	s4 =	sld [smem:$0x3FAB]  }
0x2a: {  	p0 =	seq.s32 s5, $0x0;
	s5 =	sld [smem:$0x3FAC]  }
0x2b: {  	s6 =	sld [smem:$0x3FAD]  }
0x2c: {  	s7 =	sld [smem:$0x3FAE]  }
0x2d: {  	s3 =	simm.s32 $0x108;
	s8 =	sld [smem:$0x3FAF]  }
0x2e: {  	s3 =	simm.s32 @!p0 $0x1082;
	s9 =	sld [smem:$0x3FB0]  }
0x2f: {  	lr =	sadd.s32 s0, s3;
	s0 =	sld [smem:$0x3FA7]  }
0x30: {  	s3 =	sld [smem:$0x3FAA]  }
0x31: {  	[smem:$0x3FB3] =	sst s10  }
0x32: {  	s10 =	sld [smem:$0x3FB1];
	_ =	sdelay $0x3  }
0x33: {  	p0 =	seq.s32 s10, $0x1;
	s10 =	sld [smem:$0x3FB3];
	_ =	sdelay $0x3  }
0x34: {  	[smem:$0x3FB3] =	sst s10  }
0x35: {  	s10 =	sld [smem:$0x3FB2];
	_ =	sdelay $0x3  }
0x36: {  	p1 =	seq.s32 s10, $0x1;
	s10 =	sld [smem:$0x3FB3];
	_ =	sdelay $0x3  }
0x37: {  	[smem:$0x3FB3] =	sst s10  }
0x38: {  	s10 =	sld [smem:$0x3FB4]  }
0x39: {  	_ = 	snop;
	(pc) =	sbr.ind lr, $3  }
0x3a: {  	_ = 	snop  }
0x3b: {  	_ = 	snop  }
0x3c: {  	p2 =	seq.s32 s10, $0x1;
	s10 =	sld [smem:$0x3FB3]  }
0x3d: {  	_ =	shalt  }
0x3e: {  	_ =	shalt  }
0x3f: {  	_ =	shalt  }
0x40: {  	_ =	shalt  }
0x41: {  	_ =	shalt  }
0x42: {  	_ =	shalt  }
0x43: {  	_ =	shalt  }
0x44: {  	_ =	shalt  }
0x45: {  	_ =	shalt  }
0x46: {  	_ =	shalt  }
0x47: {  	_ =	shalt  }
0x48: {  	_ =	shalt  }
0x49: {  	_ =	shalt  }
0x4a: {  	_ =	shalt  }
0x4b: {  	_ =	shalt  }
0x4c: {  	_ =	shalt  }
0x4d: {  	_ =	shalt  }
0x4e: {  	_ =	shalt  }
0x4f: {  	_ =	shalt  }
0x50: {  	_ =	shalt  }
0x51: {  	_ =	shalt  }
0x52: {  	_ =	shalt  }
0x53: {  	_ =	shalt  }
0x54: {  	_ =	shalt  }
0x55: {  	_ =	shalt  }
0x56: {  	_ =	shalt  }
0x57: {  	_ =	shalt  }
0x58: {  	_ =	shalt  }
0x59: {  	_ =	shalt  }
0x5a: {  	_ =	shalt  }
0x5b: {  	_ =	shalt  }
0x5c: {  	_ =	shalt  }
0x5d: {  	_ =	shalt  }
0x5e: {  	_ =	shalt  }
0x5f: {  	_ =	shalt  }
0x60: {  	_ =	shalt  }
0x61: {  	_ =	shalt  }
0x62: {  	_ =	shalt  }
0x63: {  	_ =	shalt  }
0x64: {  	_ =	shalt  }
0x65: {  	_ =	shalt  }
0x66: {  	_ =	shalt  }
0x67: {  	_ =	shalt  }
0x68: {  	_ =	shalt  }
0x69: {  	_ =	shalt  }
0x6a: {  	_ =	shalt  }
0x6b: {  	_ =	shalt  }
0x6c: {  	_ =	shalt  }
0x6d: {  	_ =	shalt  }
0x6e: {  	_ =	shalt  }
0x6f: {  	_ =	shalt  }
0x70: {  	_ =	shalt  }
0x71: {  	_ =	shalt  }
0x72: {  	_ =	shalt  }
0x73: {  	_ =	shalt  }
0x74: {  	_ =	shalt  }
0x75: {  	_ =	shalt  }
0x76: {  	_ =	shalt  }
0x77: {  	_ =	shalt  }
0x78: {  	_ =	shalt  }
0x79: {  	_ =	shalt  }
0x7a: {  	_ =	shalt  }
0x7b: {  	_ =	shalt  }
0x7c: {  	_ =	shalt  }
0x7d: {  	_ =	shalt  }
0x7e: {  	_ =	shalt  }
0x7f: {  	_ =	shalt  }
0x80: {  	_ =	shalt  }
0x81: {  	_ =	shalt  }
0x82: {  	_ =	shalt  }
0x83: {  	_ =	shalt  }
0x84: {  	_ =	shalt  }
0x85: {  	_ =	shalt  }
0x86: {  	_ =	shalt  }
0x87: {  	_ =	shalt  }
.Lfunc_end0:
.L_simem_size_0:
called_computation_lowered:
.L_overlay_start_0:
0x88: {  	s2 =	sld [smem:$0x3FD9]  }
0x89: {  	s3 =	sld [smem:$0x3FFE];
	_ =	sdelay $0x1  }
0x8a: {  	s1 =	srdreg.scid  }
0x8b: {  	s0 =	sand.u32 $0x1, s1  }
0x8c: {  	s17 =	sshll.u32 s0, $0xA;
	s2 =	sadd.s32 s3, s2  }
0x8d: {  	s2 =	sadd.s32 s2, s17  }
0x8e: {  	[smem:$0x3FBF] =	sst s2  }
0x8f: {  	_ = 	snop  }
0x90: {  	s2 =	sld [smem:$0x3FD0];
	(tm) =	ssettm $0x1  }
0x91: {  	s18 =	sld [smem:$0x3FFB];
	_ =	sdelay $0x3  }
0x92: {  	_ =	strace s18  }
0x93: {  	s3 =	sld [smem:$0x3FFC];
	_ =	sdelay $0x3  }
0x94: {  	_ =	strace s3  }
0x95: {  	s3 =	sld [smem:$0x3FFD];
	_ =	sdelay $0x3  }
0x96: {  	_ =	strace s3  }
0x97: {  	_ =	strace $0x8FFFFFFF  }
0x98: {  	s19 =	sld [smem:$0x3FDB];
	_ =	sdelay $0x1  }
0x99: {  	s4 =	simm.s32 $_scs_section_size  }
0x9a: {  	s5 =	simm.s32 $_size__tile_overlayer_lowered;
	s6 =	simm.s32 $_tile_overlayer_lowered  }
0x9b: {  	s22 =	simm.s32 $0x1BFF;
	s21 =	sshll.u32 s6, $0x1;
	s3 =	sadd.s32 s4, s19  }
0x9c: {  	s7 =	simm.s32 $0x0;
	s20 =	sshll.u32 s5, $0x1;
	s5 =	sadd.s32 s21, s3  }
0x9d: {  	[timem:s7], [sflag:s22] =	dma.local [hbm:s5], s20  }
0x9e: {  	_ =	swait.ge [sflag:s22], s20  }
0x9f: {  	s4 =	ssub.s32 $0x0, s20;
	[sflag:s22] =	ssyncset.done $0x0  }
0xa0: {  	[sflag:s22] =	ssyncadd.s32 s4;
	_ =	sdelay $0x1  }
0xa1: {  	s23 =	simm.s32 $0x1B8B  }
0xa2: {  	_ =	swait.ge [sflag:s23], $0x1  }
0xa3: {  	[sflag:s23] =	ssyncset.done $0x0  }
0xa4: {  	s25 =	simm.s32 $0x1B8E;
	s24 =	sld [smem:$0x3FFE];
	[sflag:s23] =	ssyncadd.s32 $0xFFFFFFFF  }
0xa5: {  	s26 =	simm.s32 $execute0_lowered;
	[smem:$0x3FD2] =	sst s25  }
0xa6: {  	s5 =	sshll.u32 s26, $0x1;
	_ =	strace $0x80000046;
	[dreg:$0x1] =	wrdreg $0xFFFFFFFF  }
0xa7: {  	s28 =	simm.s32 $_size_execute0_lowered;
	s3 =	sadd.s32 s3, s5;
	[dreg:$0x0] =	wrdreg $0x0  }
0xa8: {  	s5 =	sshll.u32 s28, $0x1;
	[dreg:$0x2] =	wrdreg s3  }
0xa9: {  	[dreg:$0x3] =	wrdreg s5  }
0xaa: {  	[dreg:$0x4] =	wrdreg $0xC0  }
0xab: {  	_ =	task [dreg:s7], $0x5FFFF  }
0xac: {  	[dreg:$0x1] =	wrdreg $0xFFFFFFFF  }
0xad: {  	[dreg:$0x0] =	wrdreg $0x60  }
0xae: {  	[dreg:$0x2] =	wrdreg s24  }
0xaf: {  	[dreg:$0x3] =	wrdreg s2  }
0xb0: {  	[dreg:$0x4] =	wrdreg $0xBA000  }
0xb1: {  	[dreg:$0x5] =	wrdreg $0x9  }
0xb2: {  	_ =	task.clear_ibuf [dreg:s7], $0x6FFFF;
	_ =	strace $0x90000046  }
0xb3: {  	s29 =	simm.s32 $0x9;
	_ =	strace $0x80000048  }
0xb4: {  	_ =	swait.ge [sflag:s29], $0x1  }
0xb5: {  	[sflag:s29] =	ssyncadd.s32 $0xFFFFFFFF  }
0xb6: {  	_ =	strace $0x90000048  }
0xb7: {  	_ =	sfence  }
0xb8: {  	s30 =	sld [smem:$0x0];
	_ =	sdelay $0x2  }
0xb9: {  	s31 =	sshll.u32 s1, $0xD;
	s1 =	sshrl.u32 s1, $0x2  }
0xba: {  	s3 =	sand.u32 $0x4000, s31;
	s1 =	sadd.s32 s1, s30  }
0xbb: {  	s0 =	sor.u32 s3, s0;
	s1 =	sshll.u32 s1, $0x11  }
0xbc: {  	s0 =	sor.u32 s1, s0  }
0xbd: {  	s0 =	sadd.s32 $0x8F2B, s0  }
0xbe: {  	[sflag:s0] =	ssyncadd.remote.s32 $0x1  }
0xbf: {  	_ =	sfence.sel $0xFFFF  }
0xc0: {  	[dreg:$0x0] =	wrdreg $0xFFFFFFFF;
	(pc) =	sbr.abs _section_cstart, $3  }
0xc1: {  	[dreg:$0x1] =	wrdreg $0xFFFFFFFF  }
0xc2: {  	_ =	task.clear_ibuf [dreg:s7], $0x2FFFF;
	_ =	strace $0x9FFFFFFF  }
0xc3: {  	(tm) =	ssettm $0x7FFFFFFF  }
tec
execute0_lowered:
.L_overlay_start_1:
0x0: {  	(tag) =	ssettag $0x1  }
0x1: {  	s0 =	rddreg [dreg:$0x0]  }
0x2: {  	s1 =	rddreg [dreg:$0x1]  }
0x3: {  	s3 =	rddreg [dreg:$0x2];
	s12 =	stileid.u32  }
0x4: {  	s4 =	simm.s32 $0x0;
	s2 =	srdreg.scid;
	s19 =	smul.u32 $0x2800, s12  }
0x5: {  	s28 =	simm.s32 $0x78;
	s29 =	simm.s32 $0x4200;
	s20 =	smul.u32 $0x50000, s12  }
0x6: {  	s30 =	simm.s32 $0x7E00;
	s31 =	simm.s32 $0x8;
	s26 =	smul.u32 $0x2D0, s12  }
0x7: {  	[smem:$0x7FF] =	sst s4;
	s2 =	sand.u32 $0x1, s2;
	s17 =	smul.u32 $0x5A, s12  }
0x8: {  	s6 =	sshll.u32 s12, $0x1;
	s7 =	sadd.s32 $0x1400, s0;
	s5 =	smul.u32 $0x28000, s2  }
0x9: {  	s8 =	sadd.s32 $0xB200, s0;
	_ =	strace $0x80000047;
	s14 =	smul.u32 $0x168, s2  }
0xa: {  	s11 =	sor.u32 s2, s6;
	s9 =	ssub.s32 $0x2, s2;
	s2 =	smul.u32 $0x2D, s2  }
0xb: {  	s10 =	smul.u32 $0x2D, s11;
	s21 =	sshrl.u32 s9, $0x1;
	[dreg:$0x4] =	wrdreg s11  }
0xc: {  	s11 =	smul.u32 $0x168, s11;
	s22 =	sshrl.u32 s20, $0x2;
	s20 =	sadd.s32 s17, s8  }
0xd: {  	s4 =	sadd.s32 s19, s5;
	s15 =	sadd.s32 s22, s3;
	s6 =	sadd.s32 s14, s26  }
0xe: {  	s19 =	sadd.s32 s17, s7;
	s14 =	sadd.s32 s2, s20;
	s0 =	sadd.s32 s4, s0  }
0xf: {  	s4 =	ssub.s32 s9, s21;
	s23 =	sadd.s32 s7, s10;
	s24 =	sadd.s32 $0x78, s11  }
0x10: {  	s25 =	sadd.s32 s8, s10;
	s13 =	sshrl.u32 s11, $0x3;
	[dreg:$0x5] =	wrdreg s15  }
0x11: {  	s9 =	sadd.s32 $0x2000, s15;
	s11 =	sadd.s32 $0x4000, s15;
	[dreg:$0x6] =	wrdreg s23  }
0x12: {  	s12 =	sadd.s32 $0x6000, s15;
	s17 =	sadd.s32 $0xA000, s15;
	[dreg:$0x7] =	wrdreg s25  }
0x13: {  	s5 =	sshrl.u32 s24, $0x3;
	s16 =	sadd.s32 $0x1E, s13;
	[dreg:$0xf] =	wrdreg s9  }
0x14: {  	s13 =	sadd.s32 s2, s19;
	s23 =	sadd.s32 $0x5A78, s6;
	[dreg:$0x12] =	wrdreg s11  }
0x15: {  	s25 =	sadd.s32 $0x2DF0, s6;
	s0 =	sadd.s32 $0x15000, s0;
	[dreg:$0x13] =	wrdreg s12  }
0x16: {  	[dreg:$0x15] =	wrdreg s17;
	s9 =	simm.s32 $0x1;
	s11 =	simm.s32 $0x3  }
0x17: {  	s12 =	simm.s32 $0x80;
	s10 =	sadd.s32 s7, s5;
	[dreg:$0x10] =	wrdreg s0  }
0x18: {  	s5 =	sadd.s32 s8, s5;
	s18 =	sadd.s32 s7, s16;
	[dreg:$0x8] =	wrdreg s10  }
0x19: {  	s2 =	sshrl.u32 s23, $0x3;
	s23 =	sadd.s32 $0xC000, s15;
	[dreg:$0x9] =	wrdreg s5  }
0x1a: {  	s0 =	simm.s32 $0x4;
	[dreg:$0xa] =	wrdreg s18;
	s5 =	sadd.s32 s8, s16  }
0x1b: {  	s10 =	sadd.s32 $0x5AF0, s6;
	s26 =	sadd.s32 s2, s8;
	s6 =	sadd.s32 $0x2D78, s6  }
0x1c: {  	s18 =	sadd.s32 s2, s7;
	s16 =	sadd.s32 $0x8000, s15;
	[dreg:$0x16] =	wrdreg s23  }
0x1d: {  	s23 =	simm.s32 $0x380;
	s2 =	simm.s32 $0x5;
	[dreg:$0xb] =	wrdreg s5  }
0x1e: {  	s21 =	sshrl.u32 s10, $0x3;
	[dreg:$0xe] =	wrdreg s26;
	s5 =	sshrl.u32 s25, $0x3  }
0x1f: {  	s6 =	sshrl.u32 s6, $0x3;
	s10 =	smax.u32 s4, $0x1;
	[dreg:$0x14] =	wrdreg s16  }
0x20: {  	s25 =	sadd.s32 $0x10000, s15;
	s26 =	sadd.s32 $0x12000, s15;
	s16 =	simm.s32 $0x0  }
0x21: {  	s22 =	sadd.s32 s21, s8;
	s24 =	sadd.s32 s21, s7;
	[dreg:$0x11] =	wrdreg s10  }
0x22: {  	s19 =	sadd.s32 s5, s8;
	s20 =	sadd.s32 s5, s7;
	[dreg:$0x18] =	wrdreg s25  }
.Ltmp0:
0x23: {  	s21 =	sadd.s32 s6, s8;
	[dreg:$0x19] =	wrdreg s26;
	(pc) =	sbr.rel .LBB2_1-.Ltmp0, $4  }
0x24: {  	s8 =	simm.s32 $0x600;
	s10 =	simm.s32 $0x2;
	s5 =	simm.s32 $0x300  }
0x25: {  	s25 =	simm.s32 $0x400;
	s26 =	simm.s32 $0x7;
	[dreg:$0xc] =	wrdreg s22  }
0x26: {  	[dreg:$0xd] =	wrdreg s24;
	s22 =	sadd.s32 s6, s7;
	s24 =	sadd.s32 $0xE000, s15  }
0x27: {  	v0 =	vimm.f32 $0.0e+00;
	s7 =	simm.s32 $0x6;
	[dreg:$0x17] =	wrdreg s24;
	s24 =	simm.s32 $0x100  }
.LBB2_7:
0x28: {  	_ =	swait.ge [sflag:s0], $0x3C00  }
0x29: {  	[sflag:s0] =	ssyncset.done $0x0  }
0x2a: {  	[sflag:s0] =	ssyncadd.s32 $0xFFFFC400  }
0x2b: {  	_ =	swait.ge [sflag:s2], $0x3C00  }
0x2c: {  	[sflag:s2] =	ssyncset.done $0x0  }
0x2d: {  	[sflag:s2] =	ssyncadd.s32 $0xFFFFC400  }
0x2e: {  	_ =	swait.ge [sflag:s7], $0x3C00  }
0x2f: {  	[sflag:s7] =	ssyncset.done $0x0  }
0x30: {  	[sflag:s7] =	ssyncadd.s32 $0xFFFFC400  }
0x31: {  	s4 =	stileid.u32;
	[bflag:$0x0] =	sbarrier.arrive $0xFFFF  }
0x32: {  	s4 =	sshll.u32 s4, $0x6;
	s15 =	rddreg [dreg:$0x5]  }
0x33: {  	s4 =	sor.u32 $0x1C09, s4;
	s16 =	rddreg [dreg:$0x10];
	s6 =	sshrl.u32 s15, $0x3  }
0x34: {  	[hbm:s16], [sflag:s4] =	dma.local [spmem:s6], $0x2800  }
0x35: {  	s6 =	simm.s32 $0x9  }
0x36: {  	_ =	swait.ge [sflag:s6], $0x2800  }
0x37: {  	s4 =	rddreg [dreg:$0x1a]  }
0x38: {  	s17 =	rddreg [dreg:$0x11];
	s16 =	sadd.s32 $0x1, s4  }
0x39: {  	p0 =	sne.s32 s16, s17  }
.Ltmp1:
0x3a: {  	_ = 	snop;
	(pc) =	sbr.rel @!p0 .LBB2_8-.Ltmp1, $3  }
0x3b: {  	_ =	sdelay $0x1  }
0x3c: {  	[sflag:s6] =	ssyncset.done $0x0  }
0x3d: {  	[sflag:s6] =	ssyncadd.s32 $0xFFFFD800  }
.LBB2_1:
0x3e: {  	s4 =	simm.s32 $0x70;
	s6 =	simm.s32 $0x3C0  }
.LBB2_2:
0x3f: {  	p0 =	sne.s32 s6, $0xEFC0;
	[tilespmem:s4+$0x600] =	vst v0  }
0x40: {  	[tilespmem:s4+$0x590] =	vst v0  }
0x41: {  	[tilespmem:s4+$0x5A0] =	vst v0  }
.Ltmp2:
0x42: {  	[tilespmem:s4+$0x5B0] =	vst v0;
	(pc) =	sbr.rel @p0 .LBB2_2-.Ltmp2, $4  }
0x43: {  	[tilespmem:s4+$0x5C0] =	vst v0  }
0x44: {  	[tilespmem:s4+$0x5D0] =	vst v0  }
0x45: {  	[tilespmem:s4+$0x5E0] =	vst v0  }
0x46: {  	[tilespmem:s4+$0x5F0] =	vst v0;
	s4 =	sshra.s32 s6, $0x2;
	s6 =	sadd.s32 $0x200, s6  }
0x47: {  	[tilespmem:s4+$0x600] =	vst v0  }
0x48: {  	[tilespmem:s4+$0x590] =	vst v0  }
0x49: {  	[tilespmem:s4+$0x5A0] =	vst v0  }
0x4a: {  	[tilespmem:s4+$0x5B0] =	vst v0  }
0x4b: {  	[tilespmem:s4+$0x5C0] =	vst v0  }
0x4c: {  	[tilespmem:s4+$0x5D0] =	vst v0  }
0x4d: {  	[tilespmem:s4+$0x5E0] =	vst v0  }
0x4e: {  	[dreg:$0x1a] =	wrdreg s16;
	[tilespmem:s4+$0x5F0] =	vst v0  }
0x4f: {  	[spmem:s15] =	stream.linear.scatter [tilespmem:s8], [sflag:$0x1], $0x2000, $0x38;
	[tilespmem:$0x1FA00] =	vst v63  }
0x50: {  	s6 =	rddreg [dreg:$0xf]  }
0x51: {  	[spmem:s6] =	stream.linear.scatter [tilespmem:s8], [sflag:$0x2], $0x2000, $0x38;
	[tilespmem:$0x1FA00] =	vst v63  }
0x52: {  	s15 =	rddreg [dreg:$0x12]  }
0x53: {  	[spmem:s15] =	stream.linear.scatter [tilespmem:s8], [sflag:$0x3], $0x2000, $0x38;
	[tilespmem:$0x1FA00] =	vst v63  }
0x54: {  	s16 =	rddreg [dreg:$0x13]  }
0x55: {  	[spmem:s16] =	stream.linear.scatter [tilespmem:s8], [sflag:$0x1], $0x2000, $0x38;
	[tilespmem:$0x1FA00] =	vst v63  }
0x56: {  	s17 =	rddreg [dreg:$0x14]  }
0x57: {  	[spmem:s17] =	stream.linear.scatter [tilespmem:s8], [sflag:$0x2], $0x2000, $0x38;
	[tilespmem:$0x1FA00] =	vst v63  }
0x58: {  	s6 =	rddreg [dreg:$0x15]  }
0x59: {  	[spmem:s6] =	stream.linear.scatter [tilespmem:s8], [sflag:$0x3], $0x2000, $0x38;
	[tilespmem:$0x1FA00] =	vst v63  }
0x5a: {  	s15 =	rddreg [dreg:$0x16]  }
0x5b: {  	[spmem:s15] =	stream.linear.scatter [tilespmem:s8], [sflag:$0x1], $0x2000, $0x38;
	[tilespmem:$0x1FA00] =	vst v63  }
0x5c: {  	s16 =	rddreg [dreg:$0x17]  }
0x5d: {  	[spmem:s16] =	stream.linear.scatter [tilespmem:s8], [sflag:$0x2], $0x2000, $0x38;
	[tilespmem:$0x1FA00] =	vst v63  }
0x5e: {  	s17 =	rddreg [dreg:$0x18]  }
0x5f: {  	[spmem:s17] =	stream.linear.scatter [tilespmem:s8], [sflag:$0x3], $0x2000, $0x38;
	[tilespmem:$0x1FA00] =	vst v63  }
0x60: {  	s6 =	rddreg [dreg:$0x19]  }
0x61: {  	[spmem:s6] =	stream.linear.scatter [tilespmem:s8], [sflag:$0x1], $0x2000, $0x38;
	[tilespmem:$0x1FA00] =	vst v63  }
0x62: {  	_ =	swait.ge [sflag:s9], $0x2000  }
0x63: {  	[sflag:s9] =	ssyncset.done $0x0  }
0x64: {  	[sflag:s9] =	ssyncadd.s32 $0xFFFFE000  }
0x65: {  	_ =	swait.ge [sflag:s10], $0x2000  }
0x66: {  	[sflag:s10] =	ssyncset.done $0x0  }
0x67: {  	[sflag:s10] =	ssyncadd.s32 $0xFFFFE000  }
0x68: {  	_ =	swait.ge [sflag:s11], $0x2000  }
0x69: {  	[sflag:s11] =	ssyncset.done $0x0  }
0x6a: {  	[sflag:s11] =	ssyncadd.s32 $0xFFFFE000  }
0x6b: {  	_ =	swait.ge [sflag:s9], $0x2000  }
0x6c: {  	[sflag:s9] =	ssyncset.done $0x0  }
0x6d: {  	[sflag:s9] =	ssyncadd.s32 $0xFFFFE000  }
0x6e: {  	_ =	swait.ge [sflag:s10], $0x2000  }
0x6f: {  	[sflag:s10] =	ssyncset.done $0x0  }
0x70: {  	[sflag:s10] =	ssyncadd.s32 $0xFFFFE000  }
0x71: {  	_ =	swait.ge [sflag:s11], $0x2000  }
0x72: {  	[sflag:s11] =	ssyncset.done $0x0  }
0x73: {  	[sflag:s11] =	ssyncadd.s32 $0xFFFFE000  }
0x74: {  	_ =	swait.ge [sflag:s9], $0x2000  }
0x75: {  	[sflag:s9] =	ssyncset.done $0x0  }
0x76: {  	[sflag:s9] =	ssyncadd.s32 $0xFFFFE000  }
0x77: {  	_ =	swait.ge [sflag:s10], $0x2000  }
0x78: {  	[sflag:s10] =	ssyncset.done $0x0  }
0x79: {  	[sflag:s10] =	ssyncadd.s32 $0xFFFFE000  }
0x7a: {  	_ =	swait.ge [sflag:s11], $0x2000  }
0x7b: {  	[sflag:s11] =	ssyncset.done $0x0  }
0x7c: {  	[sflag:s11] =	ssyncadd.s32 $0xFFFFE000  }
0x7d: {  	_ =	swait.ge [sflag:s9], $0x2000  }
0x7e: {  	[sflag:s9] =	ssyncset.done $0x0  }
0x7f: {  	[sflag:s9] =	ssyncadd.s32 $0xFFFFE000  }
0x80: {  	[bflag:$0x0] =	sbarrier.arrive $0xFFFF  }
0x81: {  	s6 =	simm.s32 $0x0;
	s15 =	rddreg [dreg:$0x6]  }
0x82: {  	[tilespmem:s6], [sflag:$0x7] =	stream.linear.gather [hbm4b:s15+s6], $0x78, $0x38;
	[tilespmem:$0x1FA00] =	vst v63  }
0x83: {  	s16 =	rddreg [dreg:$0x7]  }
0x84: {  	[tilespmem:s5], [sflag:$0x7] =	stream.linear.gather [hbm4b:s16+s6], $0x78, $0x38;
	[tilespmem:$0x1FA00] =	vst v63  }
0x85: {  	s17 =	rddreg [dreg:$0x8]  }
0x86: {  	[tilespmem:s12], [sflag:$0x7] =	stream.linear.gather [hbm4b:s17+s6], $0x78, $0x38;
	[tilespmem:$0x1FA00] =	vst v63  }
0x87: {  	s15 =	rddreg [dreg:$0x9]  }
0x88: {  	[tilespmem:s23], [sflag:$0x7] =	stream.linear.gather [hbm4b:s15+s6], $0x78, $0x38;
	[tilespmem:$0x1FA00] =	vst v63  }
.Ltmp3:
0x89: {  	s4 =	rddreg [dreg:$0x4];
	(pc) =	sbr.rel .LBB2_4-.Ltmp3, $4  }
0x8a: {  	s16 =	rddreg [dreg:$0xa]  }
0x8b: {  	[tilespmem:s24], [sflag:$0x7] =	stream.linear.gather [hbm4b:s16+s6], $0x78, $0x38;
	[tilespmem:$0x1FA00] =	vst v63  }
0x8c: {  	s17 =	rddreg [dreg:$0xb]  }
0x8d: {  	[tilespmem:s25], [sflag:$0x7] =	stream.linear.gather [hbm4b:s17+s6], $0x78, $0x38;
	[tilespmem:$0x1FA00] =	vst v63  }
.LBB2_6:
0x8e: {  	s6 =	sadd.s32 $0xB40, s6  }
0x8f: {  	p0 =	sne.s32 s6, $0x9D80  }
.Ltmp4:
0x90: {  	_ = 	snop;
	(pc) =	sbr.rel @!p0 .LBB2_7-.Ltmp4, $2  }
0x91: {  	_ =	sdelay $0x2  }
0x92: {  	s4 =	sadd.s32 $0x40, s4  }
.LBB2_4:
0x93: {  	_ =	swait.ge [sflag:s26], $0x78  }
0x94: {  	[sflag:s26] =	ssyncset.done $0x0  }
0x95: {  	[sflag:s26] =	ssyncadd.s32 $0xFFFFFF88  }
0x96: {  	_ =	swait.ge [sflag:s26], $0x78  }
0x97: {  	[sflag:s26] =	ssyncset.done $0x0  }
0x98: {  	[sflag:s26] =	ssyncadd.s32 $0xFFFFFF88  }
0x99: {  	_ =	swait.ge [sflag:s26], $0x78  }
0x9a: {  	[sflag:s26] =	ssyncset.done $0x0  }
0x9b: {  	[sflag:s26] =	ssyncadd.s32 $0xFFFFFF88  }
0x9c: {  	_ =	swait.ge [sflag:s26], $0x78  }
0x9d: {  	[sflag:s26] =	ssyncset.done $0x0  }
0x9e: {  	[sflag:s26] =	ssyncadd.s32 $0xFFFFFF88  }
0x9f: {  	_ =	swait.ge [sflag:s26], $0x78  }
0xa0: {  	[sflag:s26] =	ssyncset.done $0x0  }
0xa1: {  	[sflag:s26] =	ssyncadd.s32 $0xFFFFFF88  }
0xa2: {  	_ =	swait.ge [sflag:s26], $0x78  }
0xa3: {  	p0 =	seq.s32 s6, $0x0;
	[sflag:s26] =	ssyncset.done $0x0  }
0xa4: {  	s15 =	simm.s32 @!p0 $0x4;
	[sflag:s26] =	ssyncadd.s32 $0xFFFFFF88  }
0xa5: {  	_ =	swait.ge @!p0 [sflag:s15], $0x3C00  }
0xa6: {  	[sflag:s15] =	ssyncset.done @!p0 $0x0  }
0xa7: {  	[sflag:s15] =	ssyncadd.s32 @!p0 $0xFFFFC400;
	s15 =	simm.s32 @!p0 $0x5  }
0xa8: {  	_ =	swait.ge @!p0 [sflag:s15], $0x3C00  }
0xa9: {  	[sflag:s15] =	ssyncset.done @!p0 $0x0  }
0xaa: {  	[sflag:s15] =	ssyncadd.s32 @!p0 $0xFFFFC400;
	s15 =	simm.s32 @!p0 $0x6  }
0xab: {  	_ =	swait.ge @!p0 [sflag:s15], $0x3C00  }
0xac: {  	[sflag:s15] =	ssyncset.done @!p0 $0x0  }
0xad: {  	s16 =	simm.s32 $0x0;
	s17 =	sadd.s32 $0x20, s4;
	[sflag:s15] =	ssyncadd.s32 @!p0 $0xFFFFC400  }
0xae: {  	[tilespmem:s8], [sflag:$0x1] =	stream.indirect.gather [hbm4b:s1+s28], $0x80, s16, s28, $0xb8;
	[tilespmem:$0x1FA00] =	vst v63  }
0xaf: {  	p0 =	sgt.u32 s17, $0x378  }
0xb0: {  	[tilespmem:s29], [sflag:$0x2] =	stream.indirect.gather [hbm4b:s1+s28], $0x80, s12, s28, $0xb8;
	[tilespmem:$0x1FA00] =	vst v63  }
0xb1: {  	s15 =	sadd.s32 @!p0 s6, s13  }
0xb2: {  	[tilespmem:s30], [sflag:$0x3] =	stream.indirect.gather [hbm4b:s1+s28], $0x80, s24, s28, $0xb8;
	[tilespmem:$0x1FA00] =	vst v63  }
0xb3: {  	s16 =	simm.s32 @!p0 $0x0;
	s17 =	simm.s32 @!p0 $0x180;
	s15 =	sadd.s32 @!p0 $0x5A0, s15  }
0xb4: {  	[tilespmem:s17], [sflag:$0x8] =	stream.linear.gather @!p0 [hbm4b:s15+s16], $0x78, $0x38;
	[tilespmem:$0x1FA00] =	vst v63  }
0xb5: {  	s15 =	sadd.s32 @!p0 s6, s14  }
0xb6: {  	s17 =	simm.s32 @!p0 $0x480;
	s15 =	sadd.s32 @!p0 $0x5A0, s15  }
0xb7: {  	[tilespmem:s17], [sflag:$0x8] =	stream.linear.gather @!p0 [hbm4b:s15+s16], $0x78, $0x38;
	[tilespmem:$0x1FA00] =	vst v63  }
0xb8: {  	s15 =	sadd.s32 @!p0 s6, s22;
	s17 =	simm.s32 @!p0 $0x200  }
0xb9: {  	[tilespmem:s17], [sflag:$0x8] =	stream.linear.gather @!p0 [hbm4b:s15+s16], $0x78, $0x38;
	[tilespmem:$0x1FA00] =	vst v63  }
0xba: {  	s15 =	sadd.s32 @!p0 s6, s21;
	s17 =	simm.s32 @!p0 $0x500  }
0xbb: {  	[tilespmem:s17], [sflag:$0x8] =	stream.linear.gather @!p0 [hbm4b:s15+s16], $0x78, $0x38;
	[tilespmem:$0x1FA00] =	vst v63  }
0xbc: {  	s15 =	sadd.s32 @!p0 s6, s20;
	s17 =	simm.s32 @!p0 $0x280  }
0xbd: {  	[tilespmem:s17], [sflag:$0x8] =	stream.linear.gather @!p0 [hbm4b:s15+s16], $0x78, $0x38;
	[tilespmem:$0x1FA00] =	vst v63  }
0xbe: {  	s15 =	sadd.s32 @!p0 s6, s19;
	s17 =	simm.s32 @!p0 $0x580  }
0xbf: {  	[tilespmem:s17], [sflag:$0x8] =	stream.linear.gather @!p0 [hbm4b:s15+s16], $0x78, $0x38;
	[tilespmem:$0x1FA00] =	vst v63  }
0xc0: {  	_ =	swait.ge [sflag:s9], $0x3C00  }
0xc1: {  	[sflag:s9] =	ssyncset.done $0x0  }
0xc2: {  	[sflag:s9] =	ssyncadd.s32 $0xFFFFC400  }
0xc3: {  	[spmem:s3] =	stream.indirect.scatter.add.f32 [tilespmem:s8], [sflag:$0x4], $0x80, s5, s28, $0xb8;
	[tilespmem:$0x1FA00] =	vst v63  }
0xc4: {  	_ =	swait.ge [sflag:s10], $0x3C00  }
0xc5: {  	[sflag:s10] =	ssyncset.done $0x0  }
0xc6: {  	p0 =	sgt.u32 s4, $0x358;
	[sflag:s10] =	ssyncadd.s32 $0xFFFFC400  }
0xc7: {  	[spmem:s3] =	stream.indirect.scatter.add.f32 [tilespmem:s29], [sflag:$0x5], $0x80, s23, s28, $0xb8;
	[tilespmem:$0x1FA00] =	vst v63  }
.Ltmp5:
0xc8: {  	_ = 	snop;
	(pc) =	sbr.rel @p0 .LBB2_6-.Ltmp5, $4  }
0xc9: {  	_ =	swait.ge [sflag:s11], $0x3C00  }
0xca: {  	[sflag:s11] =	ssyncset.done $0x0  }
0xcb: {  	[sflag:s11] =	ssyncadd.s32 $0xFFFFC400  }
0xcc: {  	[spmem:s3] =	stream.indirect.scatter.add.f32 [tilespmem:s30], [sflag:$0x6], $0x80, s25, s28, $0xb8;
	[tilespmem:$0x1FA00] =	vst v63  }
0xcd: {  	_ =	swait.ge [sflag:s31], $0x78  }
0xce: {  	[sflag:s31] =	ssyncset.done $0x0  }
0xcf: {  	[sflag:s31] =	ssyncadd.s32 $0xFFFFFF88  }
0xd0: {  	_ =	swait.ge [sflag:s31], $0x78  }
0xd1: {  	[sflag:s31] =	ssyncset.done $0x0  }
0xd2: {  	[sflag:s31] =	ssyncadd.s32 $0xFFFFFF88  }
0xd3: {  	_ =	swait.ge [sflag:s31], $0x78  }
0xd4: {  	[sflag:s31] =	ssyncset.done $0x0  }
0xd5: {  	[sflag:s31] =	ssyncadd.s32 $0xFFFFFF88  }
0xd6: {  	_ =	swait.ge [sflag:s31], $0x78  }
0xd7: {  	[sflag:s31] =	ssyncset.done $0x0  }
0xd8: {  	[sflag:s31] =	ssyncadd.s32 $0xFFFFFF88  }
0xd9: {  	_ =	swait.ge [sflag:s31], $0x78  }
0xda: {  	[sflag:s31] =	ssyncset.done $0x0  }
0xdb: {  	[sflag:s31] =	ssyncadd.s32 $0xFFFFFF88  }
0xdc: {  	_ =	swait.ge [sflag:s31], $0x78  }
0xdd: {  	[sflag:s31] =	ssyncset.done $0x0  }
0xde: {  	[sflag:s31] =	ssyncadd.s32 $0xFFFFFF88  }
0xdf: {  	_ =	swait.ge [sflag:s0], $0x3C00  }
0xe0: {  	[sflag:s0] =	ssyncset.done $0x0  }
0xe1: {  	[sflag:s0] =	ssyncadd.s32 $0xFFFFC400  }
0xe2: {  	_ =	swait.ge [sflag:s2], $0x3C00  }
0xe3: {  	[sflag:s2] =	ssyncset.done $0x0  }
0xe4: {  	[sflag:s2] =	ssyncadd.s32 $0xFFFFC400  }
0xe5: {  	_ =	swait.ge [sflag:s7], $0x3C00  }
0xe6: {  	[sflag:s7] =	ssyncset.done $0x0  }
0xe7: {  	s15 =	simm.s32 $0x180;
	[sflag:s7] =	ssyncadd.s32 $0xFFFFC400  }
0xe8: {  	[tilespmem:s8], [sflag:$0x1] =	stream.indirect.gather [hbm4b:s1+s28], $0x80, s15, s28, $0xb8;
	[tilespmem:$0x1FA00] =	vst v63  }
0xe9: {  	s17 =	simm.s32 $0x200;
	p0 =	sgt.u32 s4, $0x338  }
0xea: {  	[tilespmem:s29], [sflag:$0x2] =	stream.indirect.gather [hbm4b:s1+s28], $0x80, s17, s28, $0xb8;
	[tilespmem:$0x1FA00] =	vst v63  }
0xeb: {  	s16 =	simm.s32 $0x280;
	s15 =	sadd.s32 @!p0 s6, s13  }
0xec: {  	[tilespmem:s30], [sflag:$0x3] =	stream.indirect.gather [hbm4b:s1+s28], $0x80, s16, s28, $0xb8;
	[tilespmem:$0x1FA00] =	vst v63  }
0xed: {  	s15 =	sadd.s32 @!p0 $0xB40, s15;
	s16 =	simm.s32 @!p0 $0x0  }
0xee: {  	[tilespmem:s16], [sflag:$0x7] =	stream.linear.gather @!p0 [hbm4b:s15+s16], $0x78, $0x38;
	[tilespmem:$0x1FA00] =	vst v63  }
0xef: {  	s15 =	sadd.s32 @!p0 s6, s14  }
0xf0: {  	s17 =	simm.s32 @!p0 $0x300;
	s15 =	sadd.s32 @!p0 $0xB40, s15  }
0xf1: {  	[tilespmem:s17], [sflag:$0x7] =	stream.linear.gather @!p0 [hbm4b:s15+s16], $0x78, $0x38;
	[tilespmem:$0x1FA00] =	vst v63  }
0xf2: {  	s15 =	sadd.s32 @!p0 s6, s18;
	s17 =	simm.s32 @!p0 $0x80  }
0xf3: {  	[tilespmem:s17], [sflag:$0x7] =	stream.linear.gather @!p0 [hbm4b:s15+s16], $0x78, $0x38;
	[tilespmem:$0x1FA00] =	vst v63  }
0xf4: {  	s15 =	rddreg [dreg:$0xe]  }
0xf5: {  	s17 =	simm.s32 @!p0 $0x380;
	s15 =	sadd.s32 @!p0 s6, s15  }
0xf6: {  	[tilespmem:s17], [sflag:$0x7] =	stream.linear.gather @!p0 [hbm4b:s15+s16], $0x78, $0x38;
	[tilespmem:$0x1FA00] =	vst v63  }
0xf7: {  	s15 =	rddreg [dreg:$0xd]  }
0xf8: {  	s17 =	simm.s32 @!p0 $0x100;
	s15 =	sadd.s32 @!p0 s6, s15  }
0xf9: {  	[tilespmem:s17], [sflag:$0x7] =	stream.linear.gather @!p0 [hbm4b:s15+s16], $0x78, $0x38;
	[tilespmem:$0x1FA00] =	vst v63  }
0xfa: {  	s15 =	rddreg [dreg:$0xc]  }
0xfb: {  	s17 =	simm.s32 @!p0 $0x400;
	s15 =	sadd.s32 @!p0 s6, s15  }
0xfc: {  	[tilespmem:s17], [sflag:$0x7] =	stream.linear.gather @!p0 [hbm4b:s15+s16], $0x78, $0x38;
	[tilespmem:$0x1FA00] =	vst v63  }
0xfd: {  	_ =	swait.ge [sflag:s9], $0x3C00  }
0xfe: {  	[sflag:s9] =	ssyncset.done $0x0  }
0xff: {  	s17 =	simm.s32 $0x480;
	[sflag:s9] =	ssyncadd.s32 $0xFFFFC400  }
0x100: {  	[spmem:s3] =	stream.indirect.scatter.add.f32 [tilespmem:s8], [sflag:$0x4], $0x80, s17, s28, $0xb8;
	[tilespmem:$0x1FA00] =	vst v63  }
0x101: {  	_ =	swait.ge [sflag:s10], $0x3C00  }
0x102: {  	[sflag:s10] =	ssyncset.done $0x0  }
0x103: {  	s16 =	simm.s32 $0x500;
	[sflag:s10] =	ssyncadd.s32 $0xFFFFC400  }
0x104: {  	[spmem:s3] =	stream.indirect.scatter.add.f32 [tilespmem:s29], [sflag:$0x5], $0x80, s16, s28, $0xb8;
	[tilespmem:$0x1FA00] =	vst v63  }
.Ltmp6:
0x105: {  	_ = 	snop;
	(pc) =	sbr.rel .LBB2_6-.Ltmp6, $4  }
0x106: {  	_ =	swait.ge [sflag:s11], $0x3C00  }
0x107: {  	[sflag:s11] =	ssyncset.done $0x0  }
0x108: {  	s17 =	simm.s32 $0x580;
	[sflag:s11] =	ssyncadd.s32 $0xFFFFC400  }
0x109: {  	[spmem:s3] =	stream.indirect.scatter.add.f32 [tilespmem:s30], [sflag:$0x6], $0x80, s17, s28, $0xb8;
	[tilespmem:$0x1FA00] =	vst v63  }
.LBB2_8:
0x10a: {  	_ =	sfence.sel $0x180000  }
0x10b: {  	[bflag:$0x0] =	sbarrier.arrive $0xFFFF  }
0x10c: {  	_ =	strace $0x90000047  }
0x10d: {  	s0 =	stileid.u32;
	[bflag:$0x2] =	sbarrier.arrive $0xFFFF  }
0x10e: {  	p0 =	sne.s32 s0, $0x0;
	s0 =	rddreg [dreg:$0x3]  }
0x10f: {  	s0 =	sadd.s32 @!p0 $0x100000, s0  }
0x110: {  	[sflag:s0] =	ssyncadd.tile.s32 @!p0 $0x1;
	_ =	shalt  }
.Lfunc_end2:
_tile_overlayer_lowered:
.L_overlay_start_2:
0x111: {  	(tag) =	ssettag $0x2  }
0x112: {  	s0 =	rddreg [dreg:$0x0];
	s2 =	stileid.u32  }
0x113: {  	s1 =	rddreg [dreg:$0x1];
	p0 =	sne.s32 s2, $0x0  }
0x114: {  	s3 =	rddreg [dreg:$0x2];
	[bflag:$0x3] =	sbarrier.arrive $0xFFFF;
	s2 =	simm.s32 @!p0 $0x1C09  }
0x115: {  	[timem:s3], [sflag:s2] =	dma.local @!p0 [hbm:s0], s1  }
0x116: {  	s0 =	simm.s32 @!p0 $0x9  }
0x117: {  	_ =	swait.ge @!p0 [sflag:s0], s1  }
0x118: {  	s1 =	ssub.s32 @!p0 $0x0, s1;
	[sflag:s0] =	ssyncset.done @!p0 $0x0  }
0x119: {  	[sflag:s0] =	ssyncadd.s32 @!p0 s1  }
0x11a: {  	[bflag:$0x3] =	sbarrier.arrive $0xFFFF  }
0x11b: {  	_ =	shalt  }

</sc_bundles>
